<compile_context>
chip_gen: v7x
topology: tpu7x:2x2x1
jax: 0.10.2.dev20260603
libtpu: 0.0.44.dev20260713+nightly
codegen_flags: <defaults>
</compile_context>

<pallas_src>
import functools

import jax
import jax.numpy as jnp
from jax import lax
from jax.experimental import pallas as pl
from jax.experimental.pallas import tpu as pltpu
from jax.experimental.pallas import tpu_sc as plsc

NC, NS, L = 2, 16, 16
NW = NC * NS
BN = 3128
N_PAD = BN * NS
CH = 2000
UNROLL = 5
_MHI = -65536


def _norm_accum(s0, s1, d0, d1, acc):
    b_s = lax.bitcast_convert_type(s0, jnp.int32)
    b_d = lax.bitcast_convert_type(d0, jnp.int32)
    sx = lax.bitcast_convert_type(b_s & _MHI, jnp.float32)
    dx = lax.bitcast_convert_type(b_d & _MHI, jnp.float32) - sx
    sy = lax.bitcast_convert_type(lax.shift_left(b_s, 16), jnp.float32)
    dy = lax.bitcast_convert_type(lax.shift_left(b_d, 16), jnp.float32) - sy
    dz = d1 - s1
    sq = dx * dx + dy * dy + dz * dz
    sqc = jnp.maximum(sq, jnp.float32(1e-30))
    ii = lax.bitcast_convert_type(sqc, jnp.int32)
    y = lax.bitcast_convert_type(
        jnp.int32(0x5F3759DF) - lax.shift_right_logical(ii, 1), jnp.float32)
    y = y * (jnp.float32(1.5) - (sqc * jnp.float32(0.5)) * y * y)
    return acc + sq * y


@functools.partial(jax.jit, static_argnames=("n_edges_pad",))
def _edge_loss(rx, ry, rz, px, py, pz, src, dst, n_edges_pad):
    ept = n_edges_pad // NW
    nch = ept // CH
    vpc = CH // L

    mesh = plsc.VectorSubcoreMesh(core_axis_name="c", subcore_axis_name="s")

    @functools.partial(
        pl.kernel,
        out_type=(
            jax.ShapeDtypeStruct((NW * L,), jnp.float32),
        ),
        mesh=mesh,
        compiler_params=pltpu.CompilerParams(needs_layout_passes=False),
        scratch_types=[
            pltpu.VMEM_SHARED((N_PAD,), jnp.float32),
            pltpu.VMEM_SHARED((N_PAD,), jnp.float32),
            pltpu.VMEM((N_PAD,), jnp.float32),
            pltpu.VMEM((N_PAD,), jnp.float32),
            pltpu.VMEM((BN,), jnp.float32),
            pltpu.VMEM((BN,), jnp.float32),
            pltpu.VMEM((CH,), jnp.int32),
            pltpu.VMEM((CH,), jnp.int32),
            pltpu.VMEM((CH,), jnp.int32),
            pltpu.VMEM((CH,), jnp.int32),
            pltpu.VMEM((L,), jnp.float32),
            pltpu.SemaphoreType.DMA,
            pltpu.SemaphoreType.DMA,
            pltpu.SemaphoreType.DMA,
            pltpu.SemaphoreType.DMA,
            pltpu.SemaphoreType.DMA,
        ],
    )
    def kfn(rx_h, ry_h, rz_h, px_h, py_h, pz_h, src_hbm, dst_hbm,
            out_hbm,
            w0_sh, w1_sh, w0_tab, w1_tab, brx, bpx,
            sb0, sb1, db0, db1, obuf,
            bsem, sem_s0, sem_s1, sem_d0, sem_d1):
        c = lax.axis_index("c")
        s = lax.axis_index("s")
        nb = pl.multiple_of(s * BN, 8)

        def load_pair(r_hbm, p_hbm):
            pltpu.async_copy(r_hbm.at[pl.ds(nb, BN)], brx, bsem)
            pltpu.async_copy(p_hbm.at[pl.ds(nb, BN)], bpx, bsem)
            pltpu.make_async_copy(r_hbm.at[pl.ds(nb, BN)], brx, bsem).wait()
            pltpu.make_async_copy(p_hbm.at[pl.ds(nb, BN)], bpx, bsem).wait()

        def store_x(o, dv):
            bits = (lax.bitcast_convert_type(dv, jnp.int32)
                    + jnp.int32(0x8000)) & _MHI
            w0_tab[pl.ds(nb + o, L)] = lax.bitcast_convert_type(
                bits, jnp.float32)

        def store_y(o, dv):
            bits = lax.shift_right_logical(
                lax.bitcast_convert_type(dv, jnp.int32) + jnp.int32(0x8000), 16)
            prev = lax.bitcast_convert_type(w0_tab[pl.ds(nb + o, L)], jnp.int32)
            w0_tab[pl.ds(nb + o, L)] = lax.bitcast_convert_type(
                prev | bits, jnp.float32)

        def store_z(o, dv):
            w1_tab[pl.ds(nb + o, L)] = dv

        for r_hbm, p_hbm, store in ((rx_h, px_h, store_x),
                                    (ry_h, py_h, store_y),
                                    (rz_h, pz_h, store_z)):
            load_pair(r_hbm, p_hbm)

            def phase_body(j, carry, store=store):
                o = jnp.minimum(j * L, BN - L)
                store(o, brx[pl.ds(o, L)] - bpx[pl.ds(o, L)])
                return carry

            lax.fori_loop(0, (BN + L - 1) // L, phase_body, 0)

        pltpu.sync_copy(w0_tab.at[pl.ds(nb, BN)], w0_sh.at[pl.ds(nb, BN)])
        pltpu.sync_copy(w1_tab.at[pl.ds(nb, BN)], w1_sh.at[pl.ds(nb, BN)])
        plsc.subcore_barrier()

        wid = s * NC + c
        eb = pl.multiple_of(wid * ept, 8)

        pltpu.sync_copy(w0_sh, w0_tab)
        pltpu.sync_copy(w1_sh, w1_tab)

        slots = ((sb0, db0, sem_s0, sem_d0), (sb1, db1, sem_s1, sem_d1))
        for slot in range(2):
            sb, db, ss, sd = slots[slot]
            base = eb + slot * CH
            pltpu.async_copy(src_hbm.at[pl.ds(base, CH)], sb, ss)
            pltpu.async_copy(dst_hbm.at[pl.ds(base, CH)], db, sd)

        def compute_chunk(sb, db, acc):
            def vbody(j, acc):
                for u in range(UNROLL):
                    o = (j * UNROLL + u) * L
                    sv = sb[pl.ds(o, L)]
                    dv = db[pl.ds(o, L)]
                    s0 = plsc.load_gather(w0_tab, [sv])
                    s1 = plsc.load_gather(w1_tab, [sv])
                    d0 = plsc.load_gather(w0_tab, [dv])
                    d1 = plsc.load_gather(w1_tab, [dv])
                    acc = _norm_accum(s0, s1, d0, d1, acc)
                return acc
            return lax.fori_loop(0, vpc // UNROLL, vbody, acc)

        def pair_body(i, acc):
            for slot in range(2):
                sb, db, ss, sd = slots[slot]
                ch = 2 * i + slot
                base = eb + ch * CH
                pltpu.make_async_copy(
                    src_hbm.at[pl.ds(base, CH)], sb, ss).wait()
                pltpu.make_async_copy(
                    dst_hbm.at[pl.ds(base, CH)], db, sd).wait()
                acc = compute_chunk(sb, db, acc)

                @pl.when(ch + 2 < nch)
                def _():
                    nxt = eb + (ch + 2) * CH
                    pltpu.async_copy(src_hbm.at[pl.ds(nxt, CH)], sb, ss)
                    pltpu.async_copy(dst_hbm.at[pl.ds(nxt, CH)], db, sd)
            return acc

        acc = lax.fori_loop(0, nch // 2, pair_body,
                            jnp.zeros((L,), jnp.float32))
        obuf[...] = acc
        pltpu.sync_copy(obuf, out_hbm.at[pl.ds(pl.multiple_of(wid * L, 8), L)])

    (partials,) = kfn(rx, ry, rz, px, py, pz, src, dst)
    return partials


def kernel(pos_pred, pos_rest, edge_index):
    n = pos_pred.shape[0]
    e = edge_index.shape[1]
    pad = (0, N_PAD - n)
    rx = jnp.pad(pos_rest[:, 0], pad)
    ry = jnp.pad(pos_rest[:, 1], pad)
    rz = jnp.pad(pos_rest[:, 2], pad)
    px = jnp.pad(pos_pred[:, 0], pad)
    py = jnp.pad(pos_pred[:, 1], pad)
    pz = jnp.pad(pos_pred[:, 2], pad)
    granule = NW * CH
    e_pad = -(-e // granule) * granule
    src = edge_index[0]
    dst = edge_index[1]
    if e_pad != e:
        src = jnp.pad(src, (0, e_pad - e))
        dst = jnp.pad(dst, (0, e_pad - e))
    partials = _edge_loss(rx, ry, rz, px, py, pz, src, dst, e_pad)
    return jnp.sum(partials) / e

# --- scband reference (transcript-rebuilt; emitter-appended) ---
"""Pipeline reference for scband-gradient-consistency-loss-34419867910772 (READ-ONLY COPY).

The authoritative reference and input builder live on the scoring server;
editing this copy changes nothing except your own understanding.
"""

import jax, jax.numpy as jnp
import numpy as np

N_NODES = 50000
N_EDGES = 3200000

def setup_inputs(seed: int = 0) -> dict:
    key = jax.random.key(seed)
    k1, k2, k3, k4 = jax.random.split(key, 4)
    pos_pred = jax.random.normal(k1, (N_NODES, 3), dtype=jnp.float32)
    pos_rest = jax.random.normal(k2, (N_NODES, 3), dtype=jnp.float32)
    src = jax.random.randint(k3, (N_EDGES,), 0, N_NODES, dtype=jnp.int32)
    off = jax.random.randint(k4, (N_EDGES,), 1, N_NODES, dtype=jnp.int32)
    dst = (src + off) % N_NODES  # avoid self-loops (zero-norm edges)
    edge_index = jnp.stack([src, dst], axis=0)
    return {"pos_pred": pos_pred, "pos_rest": pos_rest, "edge_index": edge_index}

def reference(pos_pred, pos_rest, edge_index):
    # Faithful translation of GradientConsistencyLoss.forward
    node_diffs = pos_pred - pos_rest  # computed in original but unused in loss
    node_pos_rest = pos_rest
    node_pos_pred = pos_pred
    edge_diffs_rest = node_pos_rest[edge_index[1]] - node_pos_rest[edge_index[0]]
    edge_diffs_pred = node_pos_pred[edge_index[1]] - node_pos_pred[edge_index[0]]
    cross_shape_diffs = edge_diffs_rest - edge_diffs_pred
    loss = jnp.sqrt(jnp.sum(cross_shape_diffs ** 2, axis=-1)).sum() / edge_index.shape[1]
    return loss

if __name__ == "__main__":
    import jax
    _d = setup_inputs()
    print(jax.jit(kernel)(*tuple(_d.values())))

</pallas_src>

<mosaic_0001>
#map = affine_map<(d0, d1) -> (0)>
module attributes {stable_mosaic.version = 14 : i64} {
  func.func @kfn(%arg0: i32, %arg1: i32, %arg2: memref<50048xf32, #tpu.memory_space<hbm>>, %arg3: memref<50048xf32, #tpu.memory_space<hbm>>, %arg4: memref<50048xf32, #tpu.memory_space<hbm>>, %arg5: memref<50048xf32, #tpu.memory_space<hbm>>, %arg6: memref<50048xf32, #tpu.memory_space<hbm>>, %arg7: memref<50048xf32, #tpu.memory_space<hbm>>, %arg8: memref<3200000xi32, #tpu.memory_space<hbm>>, %arg9: memref<3200000xi32, #tpu.memory_space<hbm>>, %arg10: memref<512xf32, #tpu.memory_space<hbm>>, %arg11: memref<50048xf32, #tpu.memory_space<vmem_shared>>, %arg12: memref<50048xf32, #tpu.memory_space<vmem_shared>>, %arg13: memref<50048xf32, #tpu.memory_space<vmem>>, %arg14: memref<50048xf32, #tpu.memory_space<vmem>>, %arg15: memref<3128xf32, #tpu.memory_space<vmem>>, %arg16: memref<3128xf32, #tpu.memory_space<vmem>>, %arg17: memref<2000xi32, #tpu.memory_space<vmem>>, %arg18: memref<2000xi32, #tpu.memory_space<vmem>>, %arg19: memref<2000xi32, #tpu.memory_space<vmem>>, %arg20: memref<2000xi32, #tpu.memory_space<vmem>>, %arg21: memref<16xf32, #tpu.memory_space<vmem>>, %arg22: memref<!tpu.dma_semaphore, #tpu.memory_space<semaphore_mem>>, %arg23: memref<!tpu.dma_semaphore, #tpu.memory_space<semaphore_mem>>, %arg24: memref<!tpu.dma_semaphore, #tpu.memory_space<semaphore_mem>>, %arg25: memref<!tpu.dma_semaphore, #tpu.memory_space<semaphore_mem>>, %arg26: memref<!tpu.dma_semaphore, #tpu.memory_space<semaphore_mem>>) attributes {dimension_semantics = [#tpu.dimension_semantics<core_parallel>, #tpu.dimension_semantics<subcore_parallel>], iteration_bounds = array<i64: 2, 16>, scalar_prefetch = 0 : i64, scratch_operands = 16 : i64, tpu.core_type = #tpu.core_type<sc_vector_subcore>, window_params = [{transform_indices = #map}, {transform_indices = #map}, {transform_indices = #map}, {transform_indices = #map}, {transform_indices = #map}, {transform_indices = #map}, {transform_indices = #map}, {transform_indices = #map}, {transform_indices = #map}]} {
    %mul3A = arith.constant 3128 : i32
    %mul3A_0 = arith.muli %arg1, %mul3A : i32
    %multiple_of3A = tpu.assume_multiple %mul3A_0, 8 : i32
    %dma_start3A = tpu.memref_slice %arg2[%multiple_of3A] : memref<50048xf32, #tpu.memory_space<hbm>> -> memref<3128xf32, #tpu.memory_space<hbm>>
    %dma_start3A_1 = tpu.memref_slice %arg2[%multiple_of3A] : memref<50048xf32, #tpu.memory_space<hbm>> -> memref<3128xf32, #tpu.memory_space<hbm>>
    tpu.enqueue_dma source(%dma_start3A_1 : memref<3128xf32, #tpu.memory_space<hbm>>) target(%arg15 : memref<3128xf32, #tpu.memory_space<vmem>>) target_semaphore(%arg22 : memref<!tpu.dma_semaphore, #tpu.memory_space<semaphore_mem>>)
    %dma_start3A_2 = tpu.memref_slice %arg5[%multiple_of3A] : memref<50048xf32, #tpu.memory_space<hbm>> -> memref<3128xf32, #tpu.memory_space<hbm>>
    %dma_start3A_3 = tpu.memref_slice %arg5[%multiple_of3A] : memref<50048xf32, #tpu.memory_space<hbm>> -> memref<3128xf32, #tpu.memory_space<hbm>>
    tpu.enqueue_dma source(%dma_start3A_3 : memref<3128xf32, #tpu.memory_space<hbm>>) target(%arg16 : memref<3128xf32, #tpu.memory_space<vmem>>) target_semaphore(%arg22 : memref<!tpu.dma_semaphore, #tpu.memory_space<semaphore_mem>>)
    %dma_wait3A = tpu.memref_slice %arg2[%multiple_of3A] : memref<50048xf32, #tpu.memory_space<hbm>> -> memref<3128xf32, #tpu.memory_space<hbm>>
    %dma_wait3A_4 = tpu.memref_slice %arg2[%multiple_of3A] : memref<50048xf32, #tpu.memory_space<hbm>> -> memref<3128xf32, #tpu.memory_space<hbm>>
    tpu.wait_dma2 semaphore(%arg22 : memref<!tpu.dma_semaphore, #tpu.memory_space<semaphore_mem>>) src(%dma_wait3A_4 : memref<3128xf32, #tpu.memory_space<hbm>>) dst(%arg15 : memref<3128xf32, #tpu.memory_space<vmem>>)
    %dma_wait3A_5 = tpu.memref_slice %arg5[%multiple_of3A] : memref<50048xf32, #tpu.memory_space<hbm>> -> memref<3128xf32, #tpu.memory_space<hbm>>
    %dma_wait3A_6 = tpu.memref_slice %arg5[%multiple_of3A] : memref<50048xf32, #tpu.memory_space<hbm>> -> memref<3128xf32, #tpu.memory_space<hbm>>
    tpu.wait_dma2 semaphore(%arg22 : memref<!tpu.dma_semaphore, #tpu.memory_space<semaphore_mem>>) src(%dma_wait3A_6 : memref<3128xf32, #tpu.memory_space<hbm>>) dst(%arg16 : memref<3128xf32, #tpu.memory_space<vmem>>)
    %scan3A = arith.constant 0 : i32
    %scan3A_7 = arith.constant 0 : i32
    %scan3A_8 = arith.constant 196 : i32
    %scan3A_9 = arith.addi %scan3A_7, %scan3A_8 : i32
    %scan3A_10 = arith.constant 1 : i32
    scf.for %scan3A_68 = %scan3A_7 to %scan3A_9 step %scan3A_10  : i32 {
      %mul3A_69 = arith.constant 16 : i32
      %mul3A_70 = arith.muli %scan3A_68, %mul3A_69 : i32
      %min3A = arith.constant 3112 : i32
      %min3A_71 = arith.minsi %mul3A_70, %min3A : i32
      %get3A = arith.index_cast %min3A_71 : i32 to index
      %get3A_72 = tpu.vector_load %arg15[%get3A] {strides = array<i32>} : memref<3128xf32, #tpu.memory_space<vmem>>, vector<16xf32>,
      %get3A_73 = arith.index_cast %min3A_71 : i32 to index
      %get3A_74 = tpu.vector_load %arg16[%get3A_73] {strides = array<i32>} : memref<3128xf32, #tpu.memory_space<vmem>>, vector<16xf32>,
      %sub3A = arith.subf %get3A_72, %get3A_74 : vector<16xf32>
      %bitcast_convert_type3A = tpu.bitcast %sub3A : vector<16xf32> -> vector<16xi32>
      %add3A_75 = arith.constant 32768 : i32
      %add3A_76 = vector.broadcast %add3A_75 : i32 to vector<16xi32>
      %add3A_77 = arith.addi %bitcast_convert_type3A, %add3A_76 : vector<16xi32>
      %and3A = arith.constant -65536 : i32
      %and3A_78 = vector.broadcast %and3A : i32 to vector<16xi32>
      %and3A_79 = arith.andi %add3A_77, %and3A_78 : vector<16xi32>
      %bitcast_convert_type3A_80 = tpu.bitcast %and3A_79 : vector<16xi32> -> vector<16xf32>
      %add3A_81 = arith.addi %multiple_of3A, %min3A_71 : i32
      %swap3A_82 = arith.index_cast %add3A_81 : i32 to index
      %swap3A_83 = tpu.vector_load %arg13[%swap3A_82] {strides = array<i32>} : memref<50048xf32, #tpu.memory_space<vmem>>, vector<16xf32>,
      tpu.vector_store %arg13[%swap3A_82], %bitcast_convert_type3A_80 {strides = array<i32>} : memref<50048xf32, #tpu.memory_space<vmem>>, vector<16xf32>,
    }
    %scan3A_11 = arith.constant 196 : i32
    %dma_start3A_12 = tpu.memref_slice %arg3[%multiple_of3A] : memref<50048xf32, #tpu.memory_space<hbm>> -> memref<3128xf32, #tpu.memory_space<hbm>>
    %dma_start3A_13 = tpu.memref_slice %arg3[%multiple_of3A] : memref<50048xf32, #tpu.memory_space<hbm>> -> memref<3128xf32, #tpu.memory_space<hbm>>
    tpu.enqueue_dma source(%dma_start3A_13 : memref<3128xf32, #tpu.memory_space<hbm>>) target(%arg15 : memref<3128xf32, #tpu.memory_space<vmem>>) target_semaphore(%arg22 : memref<!tpu.dma_semaphore, #tpu.memory_space<semaphore_mem>>)
    %dma_start3A_14 = tpu.memref_slice %arg6[%multiple_of3A] : memref<50048xf32, #tpu.memory_space<hbm>> -> memref<3128xf32, #tpu.memory_space<hbm>>
    %dma_start3A_15 = tpu.memref_slice %arg6[%multiple_of3A] : memref<50048xf32, #tpu.memory_space<hbm>> -> memref<3128xf32, #tpu.memory_space<hbm>>
    tpu.enqueue_dma source(%dma_start3A_15 : memref<3128xf32, #tpu.memory_space<hbm>>) target(%arg16 : memref<3128xf32, #tpu.memory_space<vmem>>) target_semaphore(%arg22 : memref<!tpu.dma_semaphore, #tpu.memory_space<semaphore_mem>>)
    %dma_wait3A_16 = tpu.memref_slice %arg3[%multiple_of3A] : memref<50048xf32, #tpu.memory_space<hbm>> -> memref<3128xf32, #tpu.memory_space<hbm>>
    %dma_wait3A_17 = tpu.memref_slice %arg3[%multiple_of3A] : memref<50048xf32, #tpu.memory_space<hbm>> -> memref<3128xf32, #tpu.memory_space<hbm>>
    tpu.wait_dma2 semaphore(%arg22 : memref<!tpu.dma_semaphore, #tpu.memory_space<semaphore_mem>>) src(%dma_wait3A_17 : memref<3128xf32, #tpu.memory_space<hbm>>) dst(%arg15 : memref<3128xf32, #tpu.memory_space<vmem>>)
    %dma_wait3A_18 = tpu.memref_slice %arg6[%multiple_of3A] : memref<50048xf32, #tpu.memory_space<hbm>> -> memref<3128xf32, #tpu.memory_space<hbm>>
    %dma_wait3A_19 = tpu.memref_slice %arg6[%multiple_of3A] : memref<50048xf32, #tpu.memory_space<hbm>> -> memref<3128xf32, #tpu.memory_space<hbm>>
    tpu.wait_dma2 semaphore(%arg22 : memref<!tpu.dma_semaphore, #tpu.memory_space<semaphore_mem>>) src(%dma_wait3A_19 : memref<3128xf32, #tpu.memory_space<hbm>>) dst(%arg16 : memref<3128xf32, #tpu.memory_space<vmem>>)
    %scan3A_20 = arith.constant 0 : i32
    %scan3A_21 = arith.constant 0 : i32
    %scan3A_22 = arith.constant 196 : i32
    %scan3A_23 = arith.addi %scan3A_21, %scan3A_22 : i32
    %scan3A_24 = arith.constant 1 : i32
    scf.for %scan3A_68 = %scan3A_21 to %scan3A_23 step %scan3A_24  : i32 {
      %mul3A_69 = arith.constant 16 : i32
      %mul3A_70 = arith.muli %scan3A_68, %mul3A_69 : i32
      %min3A = arith.constant 3112 : i32
      %min3A_71 = arith.minsi %mul3A_70, %min3A : i32
      %get3A = arith.index_cast %min3A_71 : i32 to index
      %get3A_72 = tpu.vector_load %arg15[%get3A] {strides = array<i32>} : memref<3128xf32, #tpu.memory_space<vmem>>, vector<16xf32>,
      %get3A_73 = arith.index_cast %min3A_71 : i32 to index
      %get3A_74 = tpu.vector_load %arg16[%get3A_73] {strides = array<i32>} : memref<3128xf32, #tpu.memory_space<vmem>>, vector<16xf32>,
      %sub3A = arith.subf %get3A_72, %get3A_74 : vector<16xf32>
      %bitcast_convert_type3A = tpu.bitcast %sub3A : vector<16xf32> -> vector<16xi32>
      %add3A_75 = arith.constant 32768 : i32
      %add3A_76 = vector.broadcast %add3A_75 : i32 to vector<16xi32>
      %add3A_77 = arith.addi %bitcast_convert_type3A, %add3A_76 : vector<16xi32>
      %shift_right_logical3A = arith.constant 16 : i32
      %shift_right_logical3A_78 = vector.broadcast %shift_right_logical3A : i32 to vector<16xi32>
      %shift_right_logical3A_79 = arith.shrui %add3A_77, %shift_right_logical3A_78 : vector<16xi32>
      %add3A_80 = arith.addi %multiple_of3A, %min3A_71 : i32
      %get3A_81 = arith.index_cast %add3A_80 : i32 to index
      %get3A_82 = tpu.vector_load %arg13[%get3A_81] {strides = array<i32>} : memref<50048xf32, #tpu.memory_space<vmem>>, vector<16xf32>,
      %bitcast_convert_type3A_83 = tpu.bitcast %get3A_82 : vector<16xf32> -> vector<16xi32>
      %or3A = arith.ori %bitcast_convert_type3A_83, %shift_right_logical3A_79 : vector<16xi32>
      %bitcast_convert_type3A_84 = tpu.bitcast %or3A : vector<16xi32> -> vector<16xf32>
      %add3A_85 = arith.addi %multiple_of3A, %min3A_71 : i32
      %swap3A_86 = arith.index_cast %add3A_85 : i32 to index
      %swap3A_87 = tpu.vector_load %arg13[%swap3A_86] {strides = array<i32>} : memref<50048xf32, #tpu.memory_space<vmem>>, vector<16xf32>,
      tpu.vector_store %arg13[%swap3A_86], %bitcast_convert_type3A_84 {strides = array<i32>} : memref<50048xf32, #tpu.memory_space<vmem>>, vector<16xf32>,
    }
    %scan3A_25 = arith.constant 196 : i32
    %dma_start3A_26 = tpu.memref_slice %arg4[%multiple_of3A] : memref<50048xf32, #tpu.memory_space<hbm>> -> memref<3128xf32, #tpu.memory_space<hbm>>
    %dma_start3A_27 = tpu.memref_slice %arg4[%multiple_of3A] : memref<50048xf32, #tpu.memory_space<hbm>> -> memref<3128xf32, #tpu.memory_space<hbm>>
    tpu.enqueue_dma source(%dma_start3A_27 : memref<3128xf32, #tpu.memory_space<hbm>>) target(%arg15 : memref<3128xf32, #tpu.memory_space<vmem>>) target_semaphore(%arg22 : memref<!tpu.dma_semaphore, #tpu.memory_space<semaphore_mem>>)
    %dma_start3A_28 = tpu.memref_slice %arg7[%multiple_of3A] : memref<50048xf32, #tpu.memory_space<hbm>> -> memref<3128xf32, #tpu.memory_space<hbm>>
    %dma_start3A_29 = tpu.memref_slice %arg7[%multiple_of3A] : memref<50048xf32, #tpu.memory_space<hbm>> -> memref<3128xf32, #tpu.memory_space<hbm>>
    tpu.enqueue_dma source(%dma_start3A_29 : memref<3128xf32, #tpu.memory_space<hbm>>) target(%arg16 : memref<3128xf32, #tpu.memory_space<vmem>>) target_semaphore(%arg22 : memref<!tpu.dma_semaphore, #tpu.memory_space<semaphore_mem>>)
    %dma_wait3A_30 = tpu.memref_slice %arg4[%multiple_of3A] : memref<50048xf32, #tpu.memory_space<hbm>> -> memref<3128xf32, #tpu.memory_space<hbm>>
    %dma_wait3A_31 = tpu.memref_slice %arg4[%multiple_of3A] : memref<50048xf32, #tpu.memory_space<hbm>> -> memref<3128xf32, #tpu.memory_space<hbm>>
    tpu.wait_dma2 semaphore(%arg22 : memref<!tpu.dma_semaphore, #tpu.memory_space<semaphore_mem>>) src(%dma_wait3A_31 : memref<3128xf32, #tpu.memory_space<hbm>>) dst(%arg15 : memref<3128xf32, #tpu.memory_space<vmem>>)
    %dma_wait3A_32 = tpu.memref_slice %arg7[%multiple_of3A] : memref<50048xf32, #tpu.memory_space<hbm>> -> memref<3128xf32, #tpu.memory_space<hbm>>
    %dma_wait3A_33 = tpu.memref_slice %arg7[%multiple_of3A] : memref<50048xf32, #tpu.memory_space<hbm>> -> memref<3128xf32, #tpu.memory_space<hbm>>
    tpu.wait_dma2 semaphore(%arg22 : memref<!tpu.dma_semaphore, #tpu.memory_space<semaphore_mem>>) src(%dma_wait3A_33 : memref<3128xf32, #tpu.memory_space<hbm>>) dst(%arg16 : memref<3128xf32, #tpu.memory_space<vmem>>)
    %scan3A_34 = arith.constant 0 : i32
    %scan3A_35 = arith.constant 0 : i32
    %scan3A_36 = arith.constant 196 : i32
    %scan3A_37 = arith.addi %scan3A_35, %scan3A_36 : i32
    %scan3A_38 = arith.constant 1 : i32
    scf.for %scan3A_68 = %scan3A_35 to %scan3A_37 step %scan3A_38  : i32 {
      %mul3A_69 = arith.constant 16 : i32
      %mul3A_70 = arith.muli %scan3A_68, %mul3A_69 : i32
      %min3A = arith.constant 3112 : i32
      %min3A_71 = arith.minsi %mul3A_70, %min3A : i32
      %get3A = arith.index_cast %min3A_71 : i32 to index
      %get3A_72 = tpu.vector_load %arg15[%get3A] {strides = array<i32>} : memref<3128xf32, #tpu.memory_space<vmem>>, vector<16xf32>,
      %get3A_73 = arith.index_cast %min3A_71 : i32 to index
      %get3A_74 = tpu.vector_load %arg16[%get3A_73] {strides = array<i32>} : memref<3128xf32, #tpu.memory_space<vmem>>, vector<16xf32>,
      %sub3A = arith.subf %get3A_72, %get3A_74 : vector<16xf32>
      %add3A_75 = arith.addi %multiple_of3A, %min3A_71 : i32
      %swap3A_76 = arith.index_cast %add3A_75 : i32 to index
      %swap3A_77 = tpu.vector_load %arg14[%swap3A_76] {strides = array<i32>} : memref<50048xf32, #tpu.memory_space<vmem>>, vector<16xf32>,
      tpu.vector_store %arg14[%swap3A_76], %sub3A {strides = array<i32>} : memref<50048xf32, #tpu.memory_space<vmem>>, vector<16xf32>,
    }
    %scan3A_39 = arith.constant 196 : i32
    "tpu.region"() ({
      %run_scoped3A = tpu.sem_alloc : memref<!tpu.dma_semaphore, #tpu.memory_space<semaphore_mem>>
      %dma_start3A_68 = tpu.memref_slice %arg13[%multiple_of3A] : memref<50048xf32, #tpu.memory_space<vmem>> -> memref<3128xf32, #tpu.memory_space<vmem>>
      %dma_start3A_69 = tpu.memref_slice %arg11[%multiple_of3A] : memref<50048xf32, #tpu.memory_space<vmem_shared>> -> memref<3128xf32, #tpu.memory_space<vmem_shared>>
      %dma_start3A_70 = tpu.memref_slice %arg11[%multiple_of3A] : memref<50048xf32, #tpu.memory_space<vmem_shared>> -> memref<3128xf32, #tpu.memory_space<vmem_shared>>
      %dma_start3A_71 = tpu.memref_slice %arg13[%multiple_of3A] : memref<50048xf32, #tpu.memory_space<vmem>> -> memref<3128xf32, #tpu.memory_space<vmem>>
      tpu.enqueue_dma source(%dma_start3A_71 : memref<3128xf32, #tpu.memory_space<vmem>>) target(%dma_start3A_70 : memref<3128xf32, #tpu.memory_space<vmem_shared>>) target_semaphore(%run_scoped3A : memref<!tpu.dma_semaphore, #tpu.memory_space<semaphore_mem>>)
      %dma_wait3A_72 = tpu.memref_slice %arg13[%multiple_of3A] : memref<50048xf32, #tpu.memory_space<vmem>> -> memref<3128xf32, #tpu.memory_space<vmem>>
      %dma_wait3A_73 = tpu.memref_slice %arg11[%multiple_of3A] : memref<50048xf32, #tpu.memory_space<vmem_shared>> -> memref<3128xf32, #tpu.memory_space<vmem_shared>>
      %dma_wait3A_74 = tpu.memref_slice %arg11[%multiple_of3A] : memref<50048xf32, #tpu.memory_space<vmem_shared>> -> memref<3128xf32, #tpu.memory_space<vmem_shared>>
      %dma_wait3A_75 = tpu.memref_slice %arg13[%multiple_of3A] : memref<50048xf32, #tpu.memory_space<vmem>> -> memref<3128xf32, #tpu.memory_space<vmem>>
      tpu.wait_dma2 semaphore(%run_scoped3A : memref<!tpu.dma_semaphore, #tpu.memory_space<semaphore_mem>>) src(%dma_wait3A_75 : memref<3128xf32, #tpu.memory_space<vmem>>) dst(%dma_wait3A_74 : memref<3128xf32, #tpu.memory_space<vmem_shared>>)
      tpu.yield
    }) : () -> ()
    "tpu.region"() ({
      %run_scoped3A = tpu.sem_alloc : memref<!tpu.dma_semaphore, #tpu.memory_space<semaphore_mem>>
      %dma_start3A_68 = tpu.memref_slice %arg14[%multiple_of3A] : memref<50048xf32, #tpu.memory_space<vmem>> -> memref<3128xf32, #tpu.memory_space<vmem>>
      %dma_start3A_69 = tpu.memref_slice %arg12[%multiple_of3A] : memref<50048xf32, #tpu.memory_space<vmem_shared>> -> memref<3128xf32, #tpu.memory_space<vmem_shared>>
      %dma_start3A_70 = tpu.memref_slice %arg12[%multiple_of3A] : memref<50048xf32, #tpu.memory_space<vmem_shared>> -> memref<3128xf32, #tpu.memory_space<vmem_shared>>
      %dma_start3A_71 = tpu.memref_slice %arg14[%multiple_of3A] : memref<50048xf32, #tpu.memory_space<vmem>> -> memref<3128xf32, #tpu.memory_space<vmem>>
      tpu.enqueue_dma source(%dma_start3A_71 : memref<3128xf32, #tpu.memory_space<vmem>>) target(%dma_start3A_70 : memref<3128xf32, #tpu.memory_space<vmem_shared>>) target_semaphore(%run_scoped3A : memref<!tpu.dma_semaphore, #tpu.memory_space<semaphore_mem>>)
      %dma_wait3A_72 = tpu.memref_slice %arg14[%multiple_of3A] : memref<50048xf32, #tpu.memory_space<vmem>> -> memref<3128xf32, #tpu.memory_space<vmem>>
      %dma_wait3A_73 = tpu.memref_slice %arg12[%multiple_of3A] : memref<50048xf32, #tpu.memory_space<vmem_shared>> -> memref<3128xf32, #tpu.memory_space<vmem_shared>>
      %dma_wait3A_74 = tpu.memref_slice %arg12[%multiple_of3A] : memref<50048xf32, #tpu.memory_space<vmem_shared>> -> memref<3128xf32, #tpu.memory_space<vmem_shared>>
      %dma_wait3A_75 = tpu.memref_slice %arg14[%multiple_of3A] : memref<50048xf32, #tpu.memory_space<vmem>> -> memref<3128xf32, #tpu.memory_space<vmem>>
      tpu.wait_dma2 semaphore(%run_scoped3A : memref<!tpu.dma_semaphore, #tpu.memory_space<semaphore_mem>>) src(%dma_wait3A_75 : memref<3128xf32, #tpu.memory_space<vmem>>) dst(%dma_wait3A_74 : memref<3128xf32, #tpu.memory_space<vmem_shared>>)
      tpu.yield
    }) : () -> ()
    %barrier3A = arith.constant 0 : index
    tpu.barrier barrier_id(%barrier3A)
    %mul3A_40 = arith.constant 2 : i32
    %mul3A_41 = arith.muli %arg1, %mul3A_40 : i32
    %add3A = arith.addi %mul3A_41, %arg0 : i32
    %mul3A_42 = arith.constant 100000 : i32
    %mul3A_43 = arith.muli %add3A, %mul3A_42 : i32
    %multiple_of3A_44 = tpu.assume_multiple %mul3A_43, 8 : i32
    "tpu.region"() ({
      %run_scoped3A = tpu.sem_alloc : memref<!tpu.dma_semaphore, #tpu.memory_space<semaphore_mem>>
      tpu.enqueue_dma source(%arg11 : memref<50048xf32, #tpu.memory_space<vmem_shared>>) target(%arg13 : memref<50048xf32, #tpu.memory_space<vmem>>) target_semaphore(%run_scoped3A : memref<!tpu.dma_semaphore, #tpu.memory_space<semaphore_mem>>)
      tpu.wait_dma2 semaphore(%run_scoped3A : memref<!tpu.dma_semaphore, #tpu.memory_space<semaphore_mem>>) src(%arg11 : memref<50048xf32, #tpu.memory_space<vmem_shared>>) dst(%arg13 : memref<50048xf32, #tpu.memory_space<vmem>>)
      tpu.yield
    }) : () -> ()
    "tpu.region"() ({
      %run_scoped3A = tpu.sem_alloc : memref<!tpu.dma_semaphore, #tpu.memory_space<semaphore_mem>>
      tpu.enqueue_dma source(%arg12 : memref<50048xf32, #tpu.memory_space<vmem_shared>>) target(%arg14 : memref<50048xf32, #tpu.memory_space<vmem>>) target_semaphore(%run_scoped3A : memref<!tpu.dma_semaphore, #tpu.memory_space<semaphore_mem>>)
      tpu.wait_dma2 semaphore(%run_scoped3A : memref<!tpu.dma_semaphore, #tpu.memory_space<semaphore_mem>>) src(%arg12 : memref<50048xf32, #tpu.memory_space<vmem_shared>>) dst(%arg14 : memref<50048xf32, #tpu.memory_space<vmem>>)
      tpu.yield
    }) : () -> ()
    %add3A_45 = arith.constant 0 : i32
    %add3A_46 = arith.addi %multiple_of3A_44, %add3A_45 : i32
    %dma_start3A_47 = tpu.memref_slice %arg8[%add3A_46] : memref<3200000xi32, #tpu.memory_space<hbm>> -> memref<2000xi32, #tpu.memory_space<hbm>>
    %dma_start3A_48 = tpu.memref_slice %arg8[%add3A_46] : memref<3200000xi32, #tpu.memory_space<hbm>> -> memref<2000xi32, #tpu.memory_space<hbm>>
    tpu.enqueue_dma source(%dma_start3A_48 : memref<2000xi32, #tpu.memory_space<hbm>>) target(%arg17 : memref<2000xi32, #tpu.memory_space<vmem>>) target_semaphore(%arg23 : memref<!tpu.dma_semaphore, #tpu.memory_space<semaphore_mem>>)
    %dma_start3A_49 = tpu.memref_slice %arg9[%add3A_46] : memref<3200000xi32, #tpu.memory_space<hbm>> -> memref<2000xi32, #tpu.memory_space<hbm>>
    %dma_start3A_50 = tpu.memref_slice %arg9[%add3A_46] : memref<3200000xi32, #tpu.memory_space<hbm>> -> memref<2000xi32, #tpu.memory_space<hbm>>
    tpu.enqueue_dma source(%dma_start3A_50 : memref<2000xi32, #tpu.memory_space<hbm>>) target(%arg19 : memref<2000xi32, #tpu.memory_space<vmem>>) target_semaphore(%arg25 : memref<!tpu.dma_semaphore, #tpu.memory_space<semaphore_mem>>)
    %add3A_51 = arith.constant 2000 : i32
    %add3A_52 = arith.addi %multiple_of3A_44, %add3A_51 : i32
    %dma_start3A_53 = tpu.memref_slice %arg8[%add3A_52] : memref<3200000xi32, #tpu.memory_space<hbm>> -> memref<2000xi32, #tpu.memory_space<hbm>>
    %dma_start3A_54 = tpu.memref_slice %arg8[%add3A_52] : memref<3200000xi32, #tpu.memory_space<hbm>> -> memref<2000xi32, #tpu.memory_space<hbm>>
    tpu.enqueue_dma source(%dma_start3A_54 : memref<2000xi32, #tpu.memory_space<hbm>>) target(%arg18 : memref<2000xi32, #tpu.memory_space<vmem>>) target_semaphore(%arg24 : memref<!tpu.dma_semaphore, #tpu.memory_space<semaphore_mem>>)
    %dma_start3A_55 = tpu.memref_slice %arg9[%add3A_52] : memref<3200000xi32, #tpu.memory_space<hbm>> -> memref<2000xi32, #tpu.memory_space<hbm>>
    %dma_start3A_56 = tpu.memref_slice %arg9[%add3A_52] : memref<3200000xi32, #tpu.memory_space<hbm>> -> memref<2000xi32, #tpu.memory_space<hbm>>
    tpu.enqueue_dma source(%dma_start3A_56 : memref<2000xi32, #tpu.memory_space<hbm>>) target(%arg20 : memref<2000xi32, #tpu.memory_space<vmem>>) target_semaphore(%arg26 : memref<!tpu.dma_semaphore, #tpu.memory_space<semaphore_mem>>)
    %broadcast_in_dim3A = arith.constant 0.000000e+00 : f32
    %broadcast_in_dim3A_57 = vector.broadcast %broadcast_in_dim3A : f32 to vector<16xf32>
    %scan3A_58 = arith.constant 0 : i32
    %scan3A_59 = arith.constant 25 : i32
    %scan3A_60 = arith.addi %scan3A_58, %scan3A_59 : i32
    %scan3A_61 = arith.constant 1 : i32
    %scan3A_62 = scf.for %scan3A_68 = %scan3A_58 to %scan3A_60 step %scan3A_61 iter_args(%scan3A_69 = %broadcast_in_dim3A_57) -> (vector<16xf32>)  : i32 {
      %mul3A_70 = arith.constant 2 : i32
      %mul3A_71 = arith.muli %mul3A_70, %scan3A_68 : i32
      %add3A_72 = arith.constant 0 : i32
      %add3A_73 = arith.addi %mul3A_71, %add3A_72 : i32
      %mul3A_74 = arith.constant 2000 : i32
      %mul3A_75 = arith.muli %add3A_73, %mul3A_74 : i32
      %add3A_76 = arith.addi %multiple_of3A_44, %mul3A_75 : i32
      %dma_wait3A_77 = tpu.memref_slice %arg8[%add3A_76] : memref<3200000xi32, #tpu.memory_space<hbm>> -> memref<2000xi32, #tpu.memory_space<hbm>>
      %dma_wait3A_78 = tpu.memref_slice %arg8[%add3A_76] : memref<3200000xi32, #tpu.memory_space<hbm>> -> memref<2000xi32, #tpu.memory_space<hbm>>
      tpu.wait_dma2 semaphore(%arg23 : memref<!tpu.dma_semaphore, #tpu.memory_space<semaphore_mem>>) src(%dma_wait3A_78 : memref<2000xi32, #tpu.memory_space<hbm>>) dst(%arg17 : memref<2000xi32, #tpu.memory_space<vmem>>)
      %dma_wait3A_79 = tpu.memref_slice %arg9[%add3A_76] : memref<3200000xi32, #tpu.memory_space<hbm>> -> memref<2000xi32, #tpu.memory_space<hbm>>
      %dma_wait3A_80 = tpu.memref_slice %arg9[%add3A_76] : memref<3200000xi32, #tpu.memory_space<hbm>> -> memref<2000xi32, #tpu.memory_space<hbm>>
      tpu.wait_dma2 semaphore(%arg25 : memref<!tpu.dma_semaphore, #tpu.memory_space<semaphore_mem>>) src(%dma_wait3A_80 : memref<2000xi32, #tpu.memory_space<hbm>>) dst(%arg19 : memref<2000xi32, #tpu.memory_space<vmem>>)
      %scan3A_81 = arith.constant 0 : i32
      %scan3A_82 = arith.constant 25 : i32
      %scan3A_83 = arith.addi %scan3A_81, %scan3A_82 : i32
      %scan3A_84 = arith.constant 1 : i32
      %scan3A_85 = scf.for %scan3A_115 = %scan3A_81 to %scan3A_83 step %scan3A_84 iter_args(%scan3A_116 = %scan3A_69) -> (vector<16xf32>)  : i32 {
        %mul3A_117 = arith.constant 5 : i32
        %mul3A_118 = arith.muli %scan3A_115, %mul3A_117 : i32
        %add3A_119 = arith.constant 0 : i32
        %add3A_120 = arith.addi %mul3A_118, %add3A_119 : i32
        %mul3A_121 = arith.constant 16 : i32
        %mul3A_122 = arith.muli %add3A_120, %mul3A_121 : i32
        %get3A = arith.index_cast %mul3A_122 : i32 to index
        %get3A_123 = tpu.vector_load %arg17[%get3A] {strides = array<i32>} : memref<2000xi32, #tpu.memory_space<vmem>>, vector<16xi32>,
        %get3A_124 = arith.index_cast %mul3A_122 : i32 to index
        %get3A_125 = tpu.vector_load %arg19[%get3A_124] {strides = array<i32>} : memref<2000xi32, #tpu.memory_space<vmem>>, vector<16xi32>,
        %gather3A = tpu.vector_load_idx %arg13[%get3A_123] : memref<50048xf32, #tpu.memory_space<vmem>>[vector<16xi32>], vector<16xf32>,
        %gather3A_126 = tpu.vector_load_idx %arg14[%get3A_123] : memref<50048xf32, #tpu.memory_space<vmem>>[vector<16xi32>], vector<16xf32>,
        %gather3A_127 = tpu.vector_load_idx %arg13[%get3A_125] : memref<50048xf32, #tpu.memory_space<vmem>>[vector<16xi32>], vector<16xf32>,
        %gather3A_128 = tpu.vector_load_idx %arg14[%get3A_125] : memref<50048xf32, #tpu.memory_space<vmem>>[vector<16xi32>], vector<16xf32>,
        %bitcast_convert_type3A = tpu.bitcast %gather3A : vector<16xf32> -> vector<16xi32>
        %bitcast_convert_type3A_129 = tpu.bitcast %gather3A_127 : vector<16xf32> -> vector<16xi32>
        %and3A = arith.constant -65536 : i32
        %and3A_130 = vector.broadcast %and3A : i32 to vector<16xi32>
        %and3A_131 = arith.andi %bitcast_convert_type3A, %and3A_130 : vector<16xi32>
        %bitcast_convert_type3A_132 = tpu.bitcast %and3A_131 : vector<16xi32> -> vector<16xf32>
        %and3A_133 = arith.constant -65536 : i32
        %and3A_134 = vector.broadcast %and3A_133 : i32 to vector<16xi32>
        %and3A_135 = arith.andi %bitcast_convert_type3A_129, %and3A_134 : vector<16xi32>
        %bitcast_convert_type3A_136 = tpu.bitcast %and3A_135 : vector<16xi32> -> vector<16xf32>
        %sub3A = arith.subf %bitcast_convert_type3A_136, %bitcast_convert_type3A_132 : vector<16xf32>
        %shift_left3A = arith.constant 16 : i32
        %shift_left3A_137 = vector.broadcast %shift_left3A : i32 to vector<16xi32>
        %shift_left3A_138 = arith.shli %bitcast_convert_type3A, %shift_left3A_137 : vector<16xi32>
        %bitcast_convert_type3A_139 = tpu.bitcast %shift_left3A_138 : vector<16xi32> -> vector<16xf32>
        %shift_left3A_140 = arith.constant 16 : i32
        %shift_left3A_141 = vector.broadcast %shift_left3A_140 : i32 to vector<16xi32>
        %shift_left3A_142 = arith.shli %bitcast_convert_type3A_129, %shift_left3A_141 : vector<16xi32>
        %bitcast_convert_type3A_143 = tpu.bitcast %shift_left3A_142 : vector<16xi32> -> vector<16xf32>
        %sub3A_144 = arith.subf %bitcast_convert_type3A_143, %bitcast_convert_type3A_139 : vector<16xf32>
        %sub3A_145 = arith.subf %gather3A_128, %gather3A_126 : vector<16xf32>
        %mul3A_146 = arith.mulf %sub3A, %sub3A : vector<16xf32>
        %mul3A_147 = arith.mulf %sub3A_144, %sub3A_144 : vector<16xf32>
        %add3A_148 = arith.addf %mul3A_146, %mul3A_147 : vector<16xf32>
        %mul3A_149 = arith.mulf %sub3A_145, %sub3A_145 : vector<16xf32>
        %add3A_150 = arith.addf %add3A_148, %mul3A_149 : vector<16xf32>
        %max3A = arith.constant 1.000000e-30 : f32
        %max3A_151 = vector.broadcast %max3A : f32 to vector<16xf32>
        %max3A_152 = arith.maximumf %add3A_150, %max3A_151 : vector<16xf32>
        %bitcast_convert_type3A_153 = tpu.bitcast %max3A_152 : vector<16xf32> -> vector<16xi32>
        %shift_right_logical3A = arith.constant 1 : i32
        %shift_right_logical3A_154 = vector.broadcast %shift_right_logical3A : i32 to vector<16xi32>
        %shift_right_logical3A_155 = arith.shrui %bitcast_convert_type3A_153, %shift_right_logical3A_154 : vector<16xi32>
        %sub3A_156 = arith.constant 1597463007 : i32
        %sub3A_157 = vector.broadcast %sub3A_156 : i32 to vector<16xi32>
        %sub3A_158 = arith.subi %sub3A_157, %shift_right_logical3A_155 : vector<16xi32>
        %bitcast_convert_type3A_159 = tpu.bitcast %sub3A_158 : vector<16xi32> -> vector<16xf32>
        %mul3A_160 = arith.constant 5.000000e-01 : f32
        %mul3A_161 = vector.broadcast %mul3A_160 : f32 to vector<16xf32>
        %mul3A_162 = arith.mulf %max3A_152, %mul3A_161 : vector<16xf32>
        %mul3A_163 = arith.mulf %mul3A_162, %bitcast_convert_type3A_159 : vector<16xf32>
        %mul3A_164 = arith.mulf %mul3A_163, %bitcast_convert_type3A_159 : vector<16xf32>
        %sub3A_165 = arith.constant 1.500000e+00 : f32
        %sub3A_166 = vector.broadcast %sub3A_165 : f32 to vector<16xf32>
        %sub3A_167 = arith.subf %sub3A_166, %mul3A_164 : vector<16xf32>
        %mul3A_168 = arith.mulf %bitcast_convert_type3A_159, %sub3A_167 : vector<16xf32>
        %mul3A_169 = arith.mulf %add3A_150, %mul3A_168 : vector<16xf32>
        %add3A_170 = arith.addf %scan3A_116, %mul3A_169 : vector<16xf32>
        %mul3A_171 = arith.constant 5 : i32
        %mul3A_172 = arith.muli %scan3A_115, %mul3A_171 : i32
        %add3A_173 = arith.constant 1 : i32
        %add3A_174 = arith.addi %mul3A_172, %add3A_173 : i32
        %mul3A_175 = arith.constant 16 : i32
        %mul3A_176 = arith.muli %add3A_174, %mul3A_175 : i32
        %get3A_177 = arith.index_cast %mul3A_176 : i32 to index
        %get3A_178 = tpu.vector_load %arg17[%get3A_177] {strides = array<i32>} : memref<2000xi32, #tpu.memory_space<vmem>>, vector<16xi32>,
        %get3A_179 = arith.index_cast %mul3A_176 : i32 to index
        %get3A_180 = tpu.vector_load %arg19[%get3A_179] {strides = array<i32>} : memref<2000xi32, #tpu.memory_space<vmem>>, vector<16xi32>,
        %gather3A_181 = tpu.vector_load_idx %arg13[%get3A_178] : memref<50048xf32, #tpu.memory_space<vmem>>[vector<16xi32>], vector<16xf32>,
        %gather3A_182 = tpu.vector_load_idx %arg14[%get3A_178] : memref<50048xf32, #tpu.memory_space<vmem>>[vector<16xi32>], vector<16xf32>,
        %gather3A_183 = tpu.vector_load_idx %arg13[%get3A_180] : memref<50048xf32, #tpu.memory_space<vmem>>[vector<16xi32>], vector<16xf32>,
        %gather3A_184 = tpu.vector_load_idx %arg14[%get3A_180] : memref<50048xf32, #tpu.memory_space<vmem>>[vector<16xi32>], vector<16xf32>,
        %bitcast_convert_type3A_185 = tpu.bitcast %gather3A_181 : vector<16xf32> -> vector<16xi32>
        %bitcast_convert_type3A_186 = tpu.bitcast %gather3A_183 : vector<16xf32> -> vector<16xi32>
        %and3A_187 = arith.constant -65536 : i32
        %and3A_188 = vector.broadcast %and3A_187 : i32 to vector<16xi32>
        %and3A_189 = arith.andi %bitcast_convert_type3A_185, %and3A_188 : vector<16xi32>
        %bitcast_convert_type3A_190 = tpu.bitcast %and3A_189 : vector<16xi32> -> vector<16xf32>
        %and3A_191 = arith.constant -65536 : i32
        %and3A_192 = vector.broadcast %and3A_191 : i32 to vector<16xi32>
        %and3A_193 = arith.andi %bitcast_convert_type3A_186, %and3A_192 : vector<16xi32>
        %bitcast_convert_type3A_194 = tpu.bitcast %and3A_193 : vector<16xi32> -> vector<16xf32>
        %sub3A_195 = arith.subf %bitcast_convert_type3A_194, %bitcast_convert_type3A_190 : vector<16xf32>
        %shift_left3A_196 = arith.constant 16 : i32
        %shift_left3A_197 = vector.broadcast %shift_left3A_196 : i32 to vector<16xi32>
        %shift_left3A_198 = arith.shli %bitcast_convert_type3A_185, %shift_left3A_197 : vector<16xi32>
        %bitcast_convert_type3A_199 = tpu.bitcast %shift_left3A_198 : vector<16xi32> -> vector<16xf32>
        %shift_left3A_200 = arith.constant 16 : i32
        %shift_left3A_201 = vector.broadcast %shift_left3A_200 : i32 to vector<16xi32>
        %shift_left3A_202 = arith.shli %bitcast_convert_type3A_186, %shift_left3A_201 : vector<16xi32>
        %bitcast_convert_type3A_203 = tpu.bitcast %shift_left3A_202 : vector<16xi32> -> vector<16xf32>
        %sub3A_204 = arith.subf %bitcast_convert_type3A_203, %bitcast_convert_type3A_199 : vector<16xf32>
        %sub3A_205 = arith.subf %gather3A_184, %gather3A_182 : vector<16xf32>
        %mul3A_206 = arith.mulf %sub3A_195, %sub3A_195 : vector<16xf32>
        %mul3A_207 = arith.mulf %sub3A_204, %sub3A_204 : vector<16xf32>
        %add3A_208 = arith.addf %mul3A_206, %mul3A_207 : vector<16xf32>
        %mul3A_209 = arith.mulf %sub3A_205, %sub3A_205 : vector<16xf32>
        %add3A_210 = arith.addf %add3A_208, %mul3A_209 : vector<16xf32>
        %max3A_211 = arith.constant 1.000000e-30 : f32
        %max3A_212 = vector.broadcast %max3A_211 : f32 to vector<16xf32>
        %max3A_213 = arith.maximumf %add3A_210, %max3A_212 : vector<16xf32>
        %bitcast_convert_type3A_214 = tpu.bitcast %max3A_213 : vector<16xf32> -> vector<16xi32>
        %shift_right_logical3A_215 = arith.constant 1 : i32
        %shift_right_logical3A_216 = vector.broadcast %shift_right_logical3A_215 : i32 to vector<16xi32>
        %shift_right_logical3A_217 = arith.shrui %bitcast_convert_type3A_214, %shift_right_logical3A_216 : vector<16xi32>
        %sub3A_218 = arith.constant 1597463007 : i32
        %sub3A_219 = vector.broadcast %sub3A_218 : i32 to vector<16xi32>
        %sub3A_220 = arith.subi %sub3A_219, %shift_right_logical3A_217 : vector<16xi32>
        %bitcast_convert_type3A_221 = tpu.bitcast %sub3A_220 : vector<16xi32> -> vector<16xf32>
        %mul3A_222 = arith.constant 5.000000e-01 : f32
        %mul3A_223 = vector.broadcast %mul3A_222 : f32 to vector<16xf32>
        %mul3A_224 = arith.mulf %max3A_213, %mul3A_223 : vector<16xf32>
        %mul3A_225 = arith.mulf %mul3A_224, %bitcast_convert_type3A_221 : vector<16xf32>
        %mul3A_226 = arith.mulf %mul3A_225, %bitcast_convert_type3A_221 : vector<16xf32>
        %sub3A_227 = arith.constant 1.500000e+00 : f32
        %sub3A_228 = vector.broadcast %sub3A_227 : f32 to vector<16xf32>
        %sub3A_229 = arith.subf %sub3A_228, %mul3A_226 : vector<16xf32>
        %mul3A_230 = arith.mulf %bitcast_convert_type3A_221, %sub3A_229 : vector<16xf32>
        %mul3A_231 = arith.mulf %add3A_210, %mul3A_230 : vector<16xf32>
        %add3A_232 = arith.addf %add3A_170, %mul3A_231 : vector<16xf32>
        %mul3A_233 = arith.constant 5 : i32
        %mul3A_234 = arith.muli %scan3A_115, %mul3A_233 : i32
        %add3A_235 = arith.constant 2 : i32
        %add3A_236 = arith.addi %mul3A_234, %add3A_235 : i32
        %mul3A_237 = arith.constant 16 : i32
        %mul3A_238 = arith.muli %add3A_236, %mul3A_237 : i32
        %get3A_239 = arith.index_cast %mul3A_238 : i32 to index
        %get3A_240 = tpu.vector_load %arg17[%get3A_239] {strides = array<i32>} : memref<2000xi32, #tpu.memory_space<vmem>>, vector<16xi32>,
        %get3A_241 = arith.index_cast %mul3A_238 : i32 to index
        %get3A_242 = tpu.vector_load %arg19[%get3A_241] {strides = array<i32>} : memref<2000xi32, #tpu.memory_space<vmem>>, vector<16xi32>,
        %gather3A_243 = tpu.vector_load_idx %arg13[%get3A_240] : memref<50048xf32, #tpu.memory_space<vmem>>[vector<16xi32>], vector<16xf32>,
        %gather3A_244 = tpu.vector_load_idx %arg14[%get3A_240] : memref<50048xf32, #tpu.memory_space<vmem>>[vector<16xi32>], vector<16xf32>,
        %gather3A_245 = tpu.vector_load_idx %arg13[%get3A_242] : memref<50048xf32, #tpu.memory_space<vmem>>[vector<16xi32>], vector<16xf32>,
        %gather3A_246 = tpu.vector_load_idx %arg14[%get3A_242] : memref<50048xf32, #tpu.memory_space<vmem>>[vector<16xi32>], vector<16xf32>,
        %bitcast_convert_type3A_247 = tpu.bitcast %gather3A_243 : vector<16xf32> -> vector<16xi32>
        %bitcast_convert_type3A_248 = tpu.bitcast %gather3A_245 : vector<16xf32> -> vector<16xi32>
        %and3A_249 = arith.constant -65536 : i32
        %and3A_250 = vector.broadcast %and3A_249 : i32 to vector<16xi32>
        %and3A_251 = arith.andi %bitcast_convert_type3A_247, %and3A_250 : vector<16xi32>
        %bitcast_convert_type3A_252 = tpu.bitcast %and3A_251 : vector<16xi32> -> vector<16xf32>
        %and3A_253 = arith.constant -65536 : i32
        %and3A_254 = vector.broadcast %and3A_253 : i32 to vector<16xi32>
        %and3A_255 = arith.andi %bitcast_convert_type3A_248, %and3A_254 : vector<16xi32>
        %bitcast_convert_type3A_256 = tpu.bitcast %and3A_255 : vector<16xi32> -> vector<16xf32>
        %sub3A_257 = arith.subf %bitcast_convert_type3A_256, %bitcast_convert_type3A_252 : vector<16xf32>
        %shift_left3A_258 = arith.constant 16 : i32
        %shift_left3A_259 = vector.broadcast %shift_left3A_258 : i32 to vector<16xi32>
        %shift_left3A_260 = arith.shli %bitcast_convert_type3A_247, %shift_left3A_259 : vector<16xi32>
        %bitcast_convert_type3A_261 = tpu.bitcast %shift_left3A_260 : vector<16xi32> -> vector<16xf32>
        %shift_left3A_262 = arith.constant 16 : i32
        %shift_left3A_263 = vector.broadcast %shift_left3A_262 : i32 to vector<16xi32>
        %shift_left3A_264 = arith.shli %bitcast_convert_type3A_248, %shift_left3A_263 : vector<16xi32>
        %bitcast_convert_type3A_265 = tpu.bitcast %shift_left3A_264 : vector<16xi32> -> vector<16xf32>
        %sub3A_266 = arith.subf %bitcast_convert_type3A_265, %bitcast_convert_type3A_261 : vector<16xf32>
        %sub3A_267 = arith.subf %gather3A_246, %gather3A_244 : vector<16xf32>
        %mul3A_268 = arith.mulf %sub3A_257, %sub3A_257 : vector<16xf32>
        %mul3A_269 = arith.mulf %sub3A_266, %sub3A_266 : vector<16xf32>
        %add3A_270 = arith.addf %mul3A_268, %mul3A_269 : vector<16xf32>
        %mul3A_271 = arith.mulf %sub3A_267, %sub3A_267 : vector<16xf32>
        %add3A_272 = arith.addf %add3A_270, %mul3A_271 : vector<16xf32>
        %max3A_273 = arith.constant 1.000000e-30 : f32
        %max3A_274 = vector.broadcast %max3A_273 : f32 to vector<16xf32>
        %max3A_275 = arith.maximumf %add3A_272, %max3A_274 : vector<16xf32>
        %bitcast_convert_type3A_276 = tpu.bitcast %max3A_275 : vector<16xf32> -> vector<16xi32>
        %shift_right_logical3A_277 = arith.constant 1 : i32
        %shift_right_logical3A_278 = vector.broadcast %shift_right_logical3A_277 : i32 to vector<16xi32>
        %shift_right_logical3A_279 = arith.shrui %bitcast_convert_type3A_276, %shift_right_logical3A_278 : vector<16xi32>
        %sub3A_280 = arith.constant 1597463007 : i32
        %sub3A_281 = vector.broadcast %sub3A_280 : i32 to vector<16xi32>
        %sub3A_282 = arith.subi %sub3A_281, %shift_right_logical3A_279 : vector<16xi32>
        %bitcast_convert_type3A_283 = tpu.bitcast %sub3A_282 : vector<16xi32> -> vector<16xf32>
        %mul3A_284 = arith.constant 5.000000e-01 : f32
        %mul3A_285 = vector.broadcast %mul3A_284 : f32 to vector<16xf32>
        %mul3A_286 = arith.mulf %max3A_275, %mul3A_285 : vector<16xf32>
        %mul3A_287 = arith.mulf %mul3A_286, %bitcast_convert_type3A_283 : vector<16xf32>
        %mul3A_288 = arith.mulf %mul3A_287, %bitcast_convert_type3A_283 : vector<16xf32>
        %sub3A_289 = arith.constant 1.500000e+00 : f32
        %sub3A_290 = vector.broadcast %sub3A_289 : f32 to vector<16xf32>
        %sub3A_291 = arith.subf %sub3A_290, %mul3A_288 : vector<16xf32>
        %mul3A_292 = arith.mulf %bitcast_convert_type3A_283, %sub3A_291 : vector<16xf32>
        %mul3A_293 = arith.mulf %add3A_272, %mul3A_292 : vector<16xf32>
        %add3A_294 = arith.addf %add3A_232, %mul3A_293 : vector<16xf32>
        %mul3A_295 = arith.constant 5 : i32
        %mul3A_296 = arith.muli %scan3A_115, %mul3A_295 : i32
        %add3A_297 = arith.constant 3 : i32
        %add3A_298 = arith.addi %mul3A_296, %add3A_297 : i32
        %mul3A_299 = arith.constant 16 : i32
        %mul3A_300 = arith.muli %add3A_298, %mul3A_299 : i32
        %get3A_301 = arith.index_cast %mul3A_300 : i32 to index
        %get3A_302 = tpu.vector_load %arg17[%get3A_301] {strides = array<i32>} : memref<2000xi32, #tpu.memory_space<vmem>>, vector<16xi32>,
        %get3A_303 = arith.index_cast %mul3A_300 : i32 to index
        %get3A_304 = tpu.vector_load %arg19[%get3A_303] {strides = array<i32>} : memref<2000xi32, #tpu.memory_space<vmem>>, vector<16xi32>,
        %gather3A_305 = tpu.vector_load_idx %arg13[%get3A_302] : memref<50048xf32, #tpu.memory_space<vmem>>[vector<16xi32>], vector<16xf32>,
        %gather3A_306 = tpu.vector_load_idx %arg14[%get3A_302] : memref<50048xf32, #tpu.memory_space<vmem>>[vector<16xi32>], vector<16xf32>,
        %gather3A_307 = tpu.vector_load_idx %arg13[%get3A_304] : memref<50048xf32, #tpu.memory_space<vmem>>[vector<16xi32>], vector<16xf32>,
        %gather3A_308 = tpu.vector_load_idx %arg14[%get3A_304] : memref<50048xf32, #tpu.memory_space<vmem>>[vector<16xi32>], vector<16xf32>,
        %bitcast_convert_type3A_309 = tpu.bitcast %gather3A_305 : vector<16xf32> -> vector<16xi32>
        %bitcast_convert_type3A_310 = tpu.bitcast %gather3A_307 : vector<16xf32> -> vector<16xi32>
        %and3A_311 = arith.constant -65536 : i32
        %and3A_312 = vector.broadcast %and3A_311 : i32 to vector<16xi32>
        %and3A_313 = arith.andi %bitcast_convert_type3A_309, %and3A_312 : vector<16xi32>
        %bitcast_convert_type3A_314 = tpu.bitcast %and3A_313 : vector<16xi32> -> vector<16xf32>
        %and3A_315 = arith.constant -65536 : i32
        %and3A_316 = vector.broadcast %and3A_315 : i32 to vector<16xi32>
        %and3A_317 = arith.andi %bitcast_convert_type3A_310, %and3A_316 : vector<16xi32>
        %bitcast_convert_type3A_318 = tpu.bitcast %and3A_317 : vector<16xi32> -> vector<16xf32>
        %sub3A_319 = arith.subf %bitcast_convert_type3A_318, %bitcast_convert_type3A_314 : vector<16xf32>
        %shift_left3A_320 = arith.constant 16 : i32
        %shift_left3A_321 = vector.broadcast %shift_left3A_320 : i32 to vector<16xi32>
        %shift_left3A_322 = arith.shli %bitcast_convert_type3A_309, %shift_left3A_321 : vector<16xi32>
        %bitcast_convert_type3A_323 = tpu.bitcast %shift_left3A_322 : vector<16xi32> -> vector<16xf32>
        %shift_left3A_324 = arith.constant 16 : i32
        %shift_left3A_325 = vector.broadcast %shift_left3A_324 : i32 to vector<16xi32>
        %shift_left3A_326 = arith.shli %bitcast_convert_type3A_310, %shift_left3A_325 : vector<16xi32>
        %bitcast_convert_type3A_327 = tpu.bitcast %shift_left3A_326 : vector<16xi32> -> vector<16xf32>
        %sub3A_328 = arith.subf %bitcast_convert_type3A_327, %bitcast_convert_type3A_323 : vector<16xf32>
        %sub3A_329 = arith.subf %gather3A_308, %gather3A_306 : vector<16xf32>
        %mul3A_330 = arith.mulf %sub3A_319, %sub3A_319 : vector<16xf32>
        %mul3A_331 = arith.mulf %sub3A_328, %sub3A_328 : vector<16xf32>
        %add3A_332 = arith.addf %mul3A_330, %mul3A_331 : vector<16xf32>
        %mul3A_333 = arith.mulf %sub3A_329, %sub3A_329 : vector<16xf32>
        %add3A_334 = arith.addf %add3A_332, %mul3A_333 : vector<16xf32>
        %max3A_335 = arith.constant 1.000000e-30 : f32
        %max3A_336 = vector.broadcast %max3A_335 : f32 to vector<16xf32>
        %max3A_337 = arith.maximumf %add3A_334, %max3A_336 : vector<16xf32>
        %bitcast_convert_type3A_338 = tpu.bitcast %max3A_337 : vector<16xf32> -> vector<16xi32>
        %shift_right_logical3A_339 = arith.constant 1 : i32
        %shift_right_logical3A_340 = vector.broadcast %shift_right_logical3A_339 : i32 to vector<16xi32>
        %shift_right_logical3A_341 = arith.shrui %bitcast_convert_type3A_338, %shift_right_logical3A_340 : vector<16xi32>
        %sub3A_342 = arith.constant 1597463007 : i32
        %sub3A_343 = vector.broadcast %sub3A_342 : i32 to vector<16xi32>
        %sub3A_344 = arith.subi %sub3A_343, %shift_right_logical3A_341 : vector<16xi32>
        %bitcast_convert_type3A_345 = tpu.bitcast %sub3A_344 : vector<16xi32> -> vector<16xf32>
        %mul3A_346 = arith.constant 5.000000e-01 : f32
        %mul3A_347 = vector.broadcast %mul3A_346 : f32 to vector<16xf32>
        %mul3A_348 = arith.mulf %max3A_337, %mul3A_347 : vector<16xf32>
        %mul3A_349 = arith.mulf %mul3A_348, %bitcast_convert_type3A_345 : vector<16xf32>
        %mul3A_350 = arith.mulf %mul3A_349, %bitcast_convert_type3A_345 : vector<16xf32>
        %sub3A_351 = arith.constant 1.500000e+00 : f32
        %sub3A_352 = vector.broadcast %sub3A_351 : f32 to vector<16xf32>
        %sub3A_353 = arith.subf %sub3A_352, %mul3A_350 : vector<16xf32>
        %mul3A_354 = arith.mulf %bitcast_convert_type3A_345, %sub3A_353 : vector<16xf32>
        %mul3A_355 = arith.mulf %add3A_334, %mul3A_354 : vector<16xf32>
        %add3A_356 = arith.addf %add3A_294, %mul3A_355 : vector<16xf32>
        %mul3A_357 = arith.constant 5 : i32
        %mul3A_358 = arith.muli %scan3A_115, %mul3A_357 : i32
        %add3A_359 = arith.constant 4 : i32
        %add3A_360 = arith.addi %mul3A_358, %add3A_359 : i32
        %mul3A_361 = arith.constant 16 : i32
        %mul3A_362 = arith.muli %add3A_360, %mul3A_361 : i32
        %get3A_363 = arith.index_cast %mul3A_362 : i32 to index
        %get3A_364 = tpu.vector_load %arg17[%get3A_363] {strides = array<i32>} : memref<2000xi32, #tpu.memory_space<vmem>>, vector<16xi32>,
        %get3A_365 = arith.index_cast %mul3A_362 : i32 to index
        %get3A_366 = tpu.vector_load %arg19[%get3A_365] {strides = array<i32>} : memref<2000xi32, #tpu.memory_space<vmem>>, vector<16xi32>,
        %gather3A_367 = tpu.vector_load_idx %arg13[%get3A_364] : memref<50048xf32, #tpu.memory_space<vmem>>[vector<16xi32>], vector<16xf32>,
        %gather3A_368 = tpu.vector_load_idx %arg14[%get3A_364] : memref<50048xf32, #tpu.memory_space<vmem>>[vector<16xi32>], vector<16xf32>,
        %gather3A_369 = tpu.vector_load_idx %arg13[%get3A_366] : memref<50048xf32, #tpu.memory_space<vmem>>[vector<16xi32>], vector<16xf32>,
        %gather3A_370 = tpu.vector_load_idx %arg14[%get3A_366] : memref<50048xf32, #tpu.memory_space<vmem>>[vector<16xi32>], vector<16xf32>,
        %bitcast_convert_type3A_371 = tpu.bitcast %gather3A_367 : vector<16xf32> -> vector<16xi32>
        %bitcast_convert_type3A_372 = tpu.bitcast %gather3A_369 : vector<16xf32> -> vector<16xi32>
        %and3A_373 = arith.constant -65536 : i32
        %and3A_374 = vector.broadcast %and3A_373 : i32 to vector<16xi32>
        %and3A_375 = arith.andi %bitcast_convert_type3A_371, %and3A_374 : vector<16xi32>
        %bitcast_convert_type3A_376 = tpu.bitcast %and3A_375 : vector<16xi32> -> vector<16xf32>
        %and3A_377 = arith.constant -65536 : i32
        %and3A_378 = vector.broadcast %and3A_377 : i32 to vector<16xi32>
        %and3A_379 = arith.andi %bitcast_convert_type3A_372, %and3A_378 : vector<16xi32>
        %bitcast_convert_type3A_380 = tpu.bitcast %and3A_379 : vector<16xi32> -> vector<16xf32>
        %sub3A_381 = arith.subf %bitcast_convert_type3A_380, %bitcast_convert_type3A_376 : vector<16xf32>
        %shift_left3A_382 = arith.constant 16 : i32
        %shift_left3A_383 = vector.broadcast %shift_left3A_382 : i32 to vector<16xi32>
        %shift_left3A_384 = arith.shli %bitcast_convert_type3A_371, %shift_left3A_383 : vector<16xi32>
        %bitcast_convert_type3A_385 = tpu.bitcast %shift_left3A_384 : vector<16xi32> -> vector<16xf32>
        %shift_left3A_386 = arith.constant 16 : i32
        %shift_left3A_387 = vector.broadcast %shift_left3A_386 : i32 to vector<16xi32>
        %shift_left3A_388 = arith.shli %bitcast_convert_type3A_372, %shift_left3A_387 : vector<16xi32>
        %bitcast_convert_type3A_389 = tpu.bitcast %shift_left3A_388 : vector<16xi32> -> vector<16xf32>
        %sub3A_390 = arith.subf %bitcast_convert_type3A_389, %bitcast_convert_type3A_385 : vector<16xf32>
        %sub3A_391 = arith.subf %gather3A_370, %gather3A_368 : vector<16xf32>
        %mul3A_392 = arith.mulf %sub3A_381, %sub3A_381 : vector<16xf32>
        %mul3A_393 = arith.mulf %sub3A_390, %sub3A_390 : vector<16xf32>
        %add3A_394 = arith.addf %mul3A_392, %mul3A_393 : vector<16xf32>
        %mul3A_395 = arith.mulf %sub3A_391, %sub3A_391 : vector<16xf32>
        %add3A_396 = arith.addf %add3A_394, %mul3A_395 : vector<16xf32>
        %max3A_397 = arith.constant 1.000000e-30 : f32
        %max3A_398 = vector.broadcast %max3A_397 : f32 to vector<16xf32>
        %max3A_399 = arith.maximumf %add3A_396, %max3A_398 : vector<16xf32>
        %bitcast_convert_type3A_400 = tpu.bitcast %max3A_399 : vector<16xf32> -> vector<16xi32>
        %shift_right_logical3A_401 = arith.constant 1 : i32
        %shift_right_logical3A_402 = vector.broadcast %shift_right_logical3A_401 : i32 to vector<16xi32>
        %shift_right_logical3A_403 = arith.shrui %bitcast_convert_type3A_400, %shift_right_logical3A_402 : vector<16xi32>
        %sub3A_404 = arith.constant 1597463007 : i32
        %sub3A_405 = vector.broadcast %sub3A_404 : i32 to vector<16xi32>
        %sub3A_406 = arith.subi %sub3A_405, %shift_right_logical3A_403 : vector<16xi32>
        %bitcast_convert_type3A_407 = tpu.bitcast %sub3A_406 : vector<16xi32> -> vector<16xf32>
        %mul3A_408 = arith.constant 5.000000e-01 : f32
        %mul3A_409 = vector.broadcast %mul3A_408 : f32 to vector<16xf32>
        %mul3A_410 = arith.mulf %max3A_399, %mul3A_409 : vector<16xf32>
        %mul3A_411 = arith.mulf %mul3A_410, %bitcast_convert_type3A_407 : vector<16xf32>
        %mul3A_412 = arith.mulf %mul3A_411, %bitcast_convert_type3A_407 : vector<16xf32>
        %sub3A_413 = arith.constant 1.500000e+00 : f32
        %sub3A_414 = vector.broadcast %sub3A_413 : f32 to vector<16xf32>
        %sub3A_415 = arith.subf %sub3A_414, %mul3A_412 : vector<16xf32>
        %mul3A_416 = arith.mulf %bitcast_convert_type3A_407, %sub3A_415 : vector<16xf32>
        %mul3A_417 = arith.mulf %add3A_396, %mul3A_416 : vector<16xf32>
        %add3A_418 = arith.addf %add3A_356, %mul3A_417 : vector<16xf32>
        scf.yield %add3A_418 : vector<16xf32>
      }
      %scan3A_86 = arith.constant 25 : i32
      %add3A_87 = arith.constant 2 : i32
      %add3A_88 = arith.addi %add3A_73, %add3A_87 : i32
      %lt3A = arith.constant 50 : i32
      %lt3A_89 = arith.cmpi slt, %add3A_88, %lt3A : i32
      %convert_element_type3A = arith.extui %lt3A_89 : i1 to i32
      %cond3A = arith.constant 0 : i32
      %cond3A_90 = arith.cmpi ne, %convert_element_type3A, %cond3A : i32
      scf.if %cond3A_90 {
        %add3A_115 = arith.constant 2 : i32
        %add3A_116 = arith.addi %add3A_73, %add3A_115 : i32
        %mul3A_117 = arith.constant 2000 : i32
        %mul3A_118 = arith.muli %add3A_116, %mul3A_117 : i32
        %add3A_119 = arith.addi %multiple_of3A_44, %mul3A_118 : i32
        %dma_start3A_120 = tpu.memref_slice %arg8[%add3A_119] : memref<3200000xi32, #tpu.memory_space<hbm>> -> memref<2000xi32, #tpu.memory_space<hbm>>
        %dma_start3A_121 = tpu.memref_slice %arg8[%add3A_119] : memref<3200000xi32, #tpu.memory_space<hbm>> -> memref<2000xi32, #tpu.memory_space<hbm>>
        tpu.enqueue_dma source(%dma_start3A_121 : memref<2000xi32, #tpu.memory_space<hbm>>) target(%arg17 : memref<2000xi32, #tpu.memory_space<vmem>>) target_semaphore(%arg23 : memref<!tpu.dma_semaphore, #tpu.memory_space<semaphore_mem>>)
        %dma_start3A_122 = tpu.memref_slice %arg9[%add3A_119] : memref<3200000xi32, #tpu.memory_space<hbm>> -> memref<2000xi32, #tpu.memory_space<hbm>>
        %dma_start3A_123 = tpu.memref_slice %arg9[%add3A_119] : memref<3200000xi32, #tpu.memory_space<hbm>> -> memref<2000xi32, #tpu.memory_space<hbm>>
        tpu.enqueue_dma source(%dma_start3A_123 : memref<2000xi32, #tpu.memory_space<hbm>>) target(%arg19 : memref<2000xi32, #tpu.memory_space<vmem>>) target_semaphore(%arg25 : memref<!tpu.dma_semaphore, #tpu.memory_space<semaphore_mem>>)
      } else {
      }
      %mul3A_91 = arith.constant 2 : i32
      %mul3A_92 = arith.muli %mul3A_91, %scan3A_68 : i32
      %add3A_93 = arith.constant 1 : i32
      %add3A_94 = arith.addi %mul3A_92, %add3A_93 : i32
      %mul3A_95 = arith.constant 2000 : i32
      %mul3A_96 = arith.muli %add3A_94, %mul3A_95 : i32
      %add3A_97 = arith.addi %multiple_of3A_44, %mul3A_96 : i32
      %dma_wait3A_98 = tpu.memref_slice %arg8[%add3A_97] : memref<3200000xi32, #tpu.memory_space<hbm>> -> memref<2000xi32, #tpu.memory_space<hbm>>
      %dma_wait3A_99 = tpu.memref_slice %arg8[%add3A_97] : memref<3200000xi32, #tpu.memory_space<hbm>> -> memref<2000xi32, #tpu.memory_space<hbm>>
      tpu.wait_dma2 semaphore(%arg24 : memref<!tpu.dma_semaphore, #tpu.memory_space<semaphore_mem>>) src(%dma_wait3A_99 : memref<2000xi32, #tpu.memory_space<hbm>>) dst(%arg18 : memref<2000xi32, #tpu.memory_space<vmem>>)
      %dma_wait3A_100 = tpu.memref_slice %arg9[%add3A_97] : memref<3200000xi32, #tpu.memory_space<hbm>> -> memref<2000xi32, #tpu.memory_space<hbm>>
      %dma_wait3A_101 = tpu.memref_slice %arg9[%add3A_97] : memref<3200000xi32, #tpu.memory_space<hbm>> -> memref<2000xi32, #tpu.memory_space<hbm>>
      tpu.wait_dma2 semaphore(%arg26 : memref<!tpu.dma_semaphore, #tpu.memory_space<semaphore_mem>>) src(%dma_wait3A_101 : memref<2000xi32, #tpu.memory_space<hbm>>) dst(%arg20 : memref<2000xi32, #tpu.memory_space<vmem>>)
      %scan3A_102 = arith.constant 0 : i32
      %scan3A_103 = arith.constant 25 : i32
      %scan3A_104 = arith.addi %scan3A_102, %scan3A_103 : i32
      %scan3A_105 = arith.constant 1 : i32
      %scan3A_106 = scf.for %scan3A_115 = %scan3A_102 to %scan3A_104 step %scan3A_105 iter_args(%scan3A_116 = %scan3A_85) -> (vector<16xf32>)  : i32 {
        %mul3A_117 = arith.constant 5 : i32
        %mul3A_118 = arith.muli %scan3A_115, %mul3A_117 : i32
        %add3A_119 = arith.constant 0 : i32
        %add3A_120 = arith.addi %mul3A_118, %add3A_119 : i32
        %mul3A_121 = arith.constant 16 : i32
        %mul3A_122 = arith.muli %add3A_120, %mul3A_121 : i32
        %get3A = arith.index_cast %mul3A_122 : i32 to index
        %get3A_123 = tpu.vector_load %arg18[%get3A] {strides = array<i32>} : memref<2000xi32, #tpu.memory_space<vmem>>, vector<16xi32>,
        %get3A_124 = arith.index_cast %mul3A_122 : i32 to index
        %get3A_125 = tpu.vector_load %arg20[%get3A_124] {strides = array<i32>} : memref<2000xi32, #tpu.memory_space<vmem>>, vector<16xi32>,
        %gather3A = tpu.vector_load_idx %arg13[%get3A_123] : memref<50048xf32, #tpu.memory_space<vmem>>[vector<16xi32>], vector<16xf32>,
        %gather3A_126 = tpu.vector_load_idx %arg14[%get3A_123] : memref<50048xf32, #tpu.memory_space<vmem>>[vector<16xi32>], vector<16xf32>,
        %gather3A_127 = tpu.vector_load_idx %arg13[%get3A_125] : memref<50048xf32, #tpu.memory_space<vmem>>[vector<16xi32>], vector<16xf32>,
        %gather3A_128 = tpu.vector_load_idx %arg14[%get3A_125] : memref<50048xf32, #tpu.memory_space<vmem>>[vector<16xi32>], vector<16xf32>,
        %bitcast_convert_type3A = tpu.bitcast %gather3A : vector<16xf32> -> vector<16xi32>
        %bitcast_convert_type3A_129 = tpu.bitcast %gather3A_127 : vector<16xf32> -> vector<16xi32>
        %and3A = arith.constant -65536 : i32
        %and3A_130 = vector.broadcast %and3A : i32 to vector<16xi32>
        %and3A_131 = arith.andi %bitcast_convert_type3A, %and3A_130 : vector<16xi32>
        %bitcast_convert_type3A_132 = tpu.bitcast %and3A_131 : vector<16xi32> -> vector<16xf32>
        %and3A_133 = arith.constant -65536 : i32
        %and3A_134 = vector.broadcast %and3A_133 : i32 to vector<16xi32>
        %and3A_135 = arith.andi %bitcast_convert_type3A_129, %and3A_134 : vector<16xi32>
        %bitcast_convert_type3A_136 = tpu.bitcast %and3A_135 : vector<16xi32> -> vector<16xf32>
        %sub3A = arith.subf %bitcast_convert_type3A_136, %bitcast_convert_type3A_132 : vector<16xf32>
        %shift_left3A = arith.constant 16 : i32
        %shift_left3A_137 = vector.broadcast %shift_left3A : i32 to vector<16xi32>
        %shift_left3A_138 = arith.shli %bitcast_convert_type3A, %shift_left3A_137 : vector<16xi32>
        %bitcast_convert_type3A_139 = tpu.bitcast %shift_left3A_138 : vector<16xi32> -> vector<16xf32>
        %shift_left3A_140 = arith.constant 16 : i32
        %shift_left3A_141 = vector.broadcast %shift_left3A_140 : i32 to vector<16xi32>
        %shift_left3A_142 = arith.shli %bitcast_convert_type3A_129, %shift_left3A_141 : vector<16xi32>
        %bitcast_convert_type3A_143 = tpu.bitcast %shift_left3A_142 : vector<16xi32> -> vector<16xf32>
        %sub3A_144 = arith.subf %bitcast_convert_type3A_143, %bitcast_convert_type3A_139 : vector<16xf32>
        %sub3A_145 = arith.subf %gather3A_128, %gather3A_126 : vector<16xf32>
        %mul3A_146 = arith.mulf %sub3A, %sub3A : vector<16xf32>
        %mul3A_147 = arith.mulf %sub3A_144, %sub3A_144 : vector<16xf32>
        %add3A_148 = arith.addf %mul3A_146, %mul3A_147 : vector<16xf32>
        %mul3A_149 = arith.mulf %sub3A_145, %sub3A_145 : vector<16xf32>
        %add3A_150 = arith.addf %add3A_148, %mul3A_149 : vector<16xf32>
        %max3A = arith.constant 1.000000e-30 : f32
        %max3A_151 = vector.broadcast %max3A : f32 to vector<16xf32>
        %max3A_152 = arith.maximumf %add3A_150, %max3A_151 : vector<16xf32>
        %bitcast_convert_type3A_153 = tpu.bitcast %max3A_152 : vector<16xf32> -> vector<16xi32>
        %shift_right_logical3A = arith.constant 1 : i32
        %shift_right_logical3A_154 = vector.broadcast %shift_right_logical3A : i32 to vector<16xi32>
        %shift_right_logical3A_155 = arith.shrui %bitcast_convert_type3A_153, %shift_right_logical3A_154 : vector<16xi32>
        %sub3A_156 = arith.constant 1597463007 : i32
        %sub3A_157 = vector.broadcast %sub3A_156 : i32 to vector<16xi32>
        %sub3A_158 = arith.subi %sub3A_157, %shift_right_logical3A_155 : vector<16xi32>
        %bitcast_convert_type3A_159 = tpu.bitcast %sub3A_158 : vector<16xi32> -> vector<16xf32>
        %mul3A_160 = arith.constant 5.000000e-01 : f32
        %mul3A_161 = vector.broadcast %mul3A_160 : f32 to vector<16xf32>
        %mul3A_162 = arith.mulf %max3A_152, %mul3A_161 : vector<16xf32>
        %mul3A_163 = arith.mulf %mul3A_162, %bitcast_convert_type3A_159 : vector<16xf32>
        %mul3A_164 = arith.mulf %mul3A_163, %bitcast_convert_type3A_159 : vector<16xf32>
        %sub3A_165 = arith.constant 1.500000e+00 : f32
        %sub3A_166 = vector.broadcast %sub3A_165 : f32 to vector<16xf32>
        %sub3A_167 = arith.subf %sub3A_166, %mul3A_164 : vector<16xf32>
        %mul3A_168 = arith.mulf %bitcast_convert_type3A_159, %sub3A_167 : vector<16xf32>
        %mul3A_169 = arith.mulf %add3A_150, %mul3A_168 : vector<16xf32>
        %add3A_170 = arith.addf %scan3A_116, %mul3A_169 : vector<16xf32>
        %mul3A_171 = arith.constant 5 : i32
        %mul3A_172 = arith.muli %scan3A_115, %mul3A_171 : i32
        %add3A_173 = arith.constant 1 : i32
        %add3A_174 = arith.addi %mul3A_172, %add3A_173 : i32
        %mul3A_175 = arith.constant 16 : i32
        %mul3A_176 = arith.muli %add3A_174, %mul3A_175 : i32
        %get3A_177 = arith.index_cast %mul3A_176 : i32 to index
        %get3A_178 = tpu.vector_load %arg18[%get3A_177] {strides = array<i32>} : memref<2000xi32, #tpu.memory_space<vmem>>, vector<16xi32>,
        %get3A_179 = arith.index_cast %mul3A_176 : i32 to index
        %get3A_180 = tpu.vector_load %arg20[%get3A_179] {strides = array<i32>} : memref<2000xi32, #tpu.memory_space<vmem>>, vector<16xi32>,
        %gather3A_181 = tpu.vector_load_idx %arg13[%get3A_178] : memref<50048xf32, #tpu.memory_space<vmem>>[vector<16xi32>], vector<16xf32>,
        %gather3A_182 = tpu.vector_load_idx %arg14[%get3A_178] : memref<50048xf32, #tpu.memory_space<vmem>>[vector<16xi32>], vector<16xf32>,
        %gather3A_183 = tpu.vector_load_idx %arg13[%get3A_180] : memref<50048xf32, #tpu.memory_space<vmem>>[vector<16xi32>], vector<16xf32>,
        %gather3A_184 = tpu.vector_load_idx %arg14[%get3A_180] : memref<50048xf32, #tpu.memory_space<vmem>>[vector<16xi32>], vector<16xf32>,
        %bitcast_convert_type3A_185 = tpu.bitcast %gather3A_181 : vector<16xf32> -> vector<16xi32>
        %bitcast_convert_type3A_186 = tpu.bitcast %gather3A_183 : vector<16xf32> -> vector<16xi32>
        %and3A_187 = arith.constant -65536 : i32
        %and3A_188 = vector.broadcast %and3A_187 : i32 to vector<16xi32>
        %and3A_189 = arith.andi %bitcast_convert_type3A_185, %and3A_188 : vector<16xi32>
        %bitcast_convert_type3A_190 = tpu.bitcast %and3A_189 : vector<16xi32> -> vector<16xf32>
        %and3A_191 = arith.constant -65536 : i32
        %and3A_192 = vector.broadcast %and3A_191 : i32 to vector<16xi32>
        %and3A_193 = arith.andi %bitcast_convert_type3A_186, %and3A_192 : vector<16xi32>
        %bitcast_convert_type3A_194 = tpu.bitcast %and3A_193 : vector<16xi32> -> vector<16xf32>
        %sub3A_195 = arith.subf %bitcast_convert_type3A_194, %bitcast_convert_type3A_190 : vector<16xf32>
        %shift_left3A_196 = arith.constant 16 : i32
        %shift_left3A_197 = vector.broadcast %shift_left3A_196 : i32 to vector<16xi32>
        %shift_left3A_198 = arith.shli %bitcast_convert_type3A_185, %shift_left3A_197 : vector<16xi32>
        %bitcast_convert_type3A_199 = tpu.bitcast %shift_left3A_198 : vector<16xi32> -> vector<16xf32>
        %shift_left3A_200 = arith.constant 16 : i32
        %shift_left3A_201 = vector.broadcast %shift_left3A_200 : i32 to vector<16xi32>
        %shift_left3A_202 = arith.shli %bitcast_convert_type3A_186, %shift_left3A_201 : vector<16xi32>
        %bitcast_convert_type3A_203 = tpu.bitcast %shift_left3A_202 : vector<16xi32> -> vector<16xf32>
        %sub3A_204 = arith.subf %bitcast_convert_type3A_203, %bitcast_convert_type3A_199 : vector<16xf32>
        %sub3A_205 = arith.subf %gather3A_184, %gather3A_182 : vector<16xf32>
        %mul3A_206 = arith.mulf %sub3A_195, %sub3A_195 : vector<16xf32>
        %mul3A_207 = arith.mulf %sub3A_204, %sub3A_204 : vector<16xf32>
        %add3A_208 = arith.addf %mul3A_206, %mul3A_207 : vector<16xf32>
        %mul3A_209 = arith.mulf %sub3A_205, %sub3A_205 : vector<16xf32>
        %add3A_210 = arith.addf %add3A_208, %mul3A_209 : vector<16xf32>
        %max3A_211 = arith.constant 1.000000e-30 : f32
        %max3A_212 = vector.broadcast %max3A_211 : f32 to vector<16xf32>
        %max3A_213 = arith.maximumf %add3A_210, %max3A_212 : vector<16xf32>
        %bitcast_convert_type3A_214 = tpu.bitcast %max3A_213 : vector<16xf32> -> vector<16xi32>
        %shift_right_logical3A_215 = arith.constant 1 : i32
        %shift_right_logical3A_216 = vector.broadcast %shift_right_logical3A_215 : i32 to vector<16xi32>
        %shift_right_logical3A_217 = arith.shrui %bitcast_convert_type3A_214, %shift_right_logical3A_216 : vector<16xi32>
        %sub3A_218 = arith.constant 1597463007 : i32
        %sub3A_219 = vector.broadcast %sub3A_218 : i32 to vector<16xi32>
        %sub3A_220 = arith.subi %sub3A_219, %shift_right_logical3A_217 : vector<16xi32>
        %bitcast_convert_type3A_221 = tpu.bitcast %sub3A_220 : vector<16xi32> -> vector<16xf32>
        %mul3A_222 = arith.constant 5.000000e-01 : f32
        %mul3A_223 = vector.broadcast %mul3A_222 : f32 to vector<16xf32>
        %mul3A_224 = arith.mulf %max3A_213, %mul3A_223 : vector<16xf32>
        %mul3A_225 = arith.mulf %mul3A_224, %bitcast_convert_type3A_221 : vector<16xf32>
        %mul3A_226 = arith.mulf %mul3A_225, %bitcast_convert_type3A_221 : vector<16xf32>
        %sub3A_227 = arith.constant 1.500000e+00 : f32
        %sub3A_228 = vector.broadcast %sub3A_227 : f32 to vector<16xf32>
        %sub3A_229 = arith.subf %sub3A_228, %mul3A_226 : vector<16xf32>
        %mul3A_230 = arith.mulf %bitcast_convert_type3A_221, %sub3A_229 : vector<16xf32>
        %mul3A_231 = arith.mulf %add3A_210, %mul3A_230 : vector<16xf32>
        %add3A_232 = arith.addf %add3A_170, %mul3A_231 : vector<16xf32>
        %mul3A_233 = arith.constant 5 : i32
        %mul3A_234 = arith.muli %scan3A_115, %mul3A_233 : i32
        %add3A_235 = arith.constant 2 : i32
        %add3A_236 = arith.addi %mul3A_234, %add3A_235 : i32
        %mul3A_237 = arith.constant 16 : i32
        %mul3A_238 = arith.muli %add3A_236, %mul3A_237 : i32
        %get3A_239 = arith.index_cast %mul3A_238 : i32 to index
        %get3A_240 = tpu.vector_load %arg18[%get3A_239] {strides = array<i32>} : memref<2000xi32, #tpu.memory_space<vmem>>, vector<16xi32>,
        %get3A_241 = arith.index_cast %mul3A_238 : i32 to index
        %get3A_242 = tpu.vector_load %arg20[%get3A_241] {strides = array<i32>} : memref<2000xi32, #tpu.memory_space<vmem>>, vector<16xi32>,
        %gather3A_243 = tpu.vector_load_idx %arg13[%get3A_240] : memref<50048xf32, #tpu.memory_space<vmem>>[vector<16xi32>], vector<16xf32>,
        %gather3A_244 = tpu.vector_load_idx %arg14[%get3A_240] : memref<50048xf32, #tpu.memory_space<vmem>>[vector<16xi32>], vector<16xf32>,
        %gather3A_245 = tpu.vector_load_idx %arg13[%get3A_242] : memref<50048xf32, #tpu.memory_space<vmem>>[vector<16xi32>], vector<16xf32>,
        %gather3A_246 = tpu.vector_load_idx %arg14[%get3A_242] : memref<50048xf32, #tpu.memory_space<vmem>>[vector<16xi32>], vector<16xf32>,
        %bitcast_convert_type3A_247 = tpu.bitcast %gather3A_243 : vector<16xf32> -> vector<16xi32>
        %bitcast_convert_type3A_248 = tpu.bitcast %gather3A_245 : vector<16xf32> -> vector<16xi32>
        %and3A_249 = arith.constant -65536 : i32
        %and3A_250 = vector.broadcast %and3A_249 : i32 to vector<16xi32>
        %and3A_251 = arith.andi %bitcast_convert_type3A_247, %and3A_250 : vector<16xi32>
        %bitcast_convert_type3A_252 = tpu.bitcast %and3A_251 : vector<16xi32> -> vector<16xf32>
        %and3A_253 = arith.constant -65536 : i32
        %and3A_254 = vector.broadcast %and3A_253 : i32 to vector<16xi32>
        %and3A_255 = arith.andi %bitcast_convert_type3A_248, %and3A_254 : vector<16xi32>
        %bitcast_convert_type3A_256 = tpu.bitcast %and3A_255 : vector<16xi32> -> vector<16xf32>
        %sub3A_257 = arith.subf %bitcast_convert_type3A_256, %bitcast_convert_type3A_252 : vector<16xf32>
        %shift_left3A_258 = arith.constant 16 : i32
        %shift_left3A_259 = vector.broadcast %shift_left3A_258 : i32 to vector<16xi32>
        %shift_left3A_260 = arith.shli %bitcast_convert_type3A_247, %shift_left3A_259 : vector<16xi32>
        %bitcast_convert_type3A_261 = tpu.bitcast %shift_left3A_260 : vector<16xi32> -> vector<16xf32>
        %shift_left3A_262 = arith.constant 16 : i32
        %shift_left3A_263 = vector.broadcast %shift_left3A_262 : i32 to vector<16xi32>
        %shift_left3A_264 = arith.shli %bitcast_convert_type3A_248, %shift_left3A_263 : vector<16xi32>
        %bitcast_convert_type3A_265 = tpu.bitcast %shift_left3A_264 : vector<16xi32> -> vector<16xf32>
        %sub3A_266 = arith.subf %bitcast_convert_type3A_265, %bitcast_convert_type3A_261 : vector<16xf32>
        %sub3A_267 = arith.subf %gather3A_246, %gather3A_244 : vector<16xf32>
        %mul3A_268 = arith.mulf %sub3A_257, %sub3A_257 : vector<16xf32>
        %mul3A_269 = arith.mulf %sub3A_266, %sub3A_266 : vector<16xf32>
        %add3A_270 = arith.addf %mul3A_268, %mul3A_269 : vector<16xf32>
        %mul3A_271 = arith.mulf %sub3A_267, %sub3A_267 : vector<16xf32>
        %add3A_272 = arith.addf %add3A_270, %mul3A_271 : vector<16xf32>
        %max3A_273 = arith.constant 1.000000e-30 : f32
        %max3A_274 = vector.broadcast %max3A_273 : f32 to vector<16xf32>
        %max3A_275 = arith.maximumf %add3A_272, %max3A_274 : vector<16xf32>
        %bitcast_convert_type3A_276 = tpu.bitcast %max3A_275 : vector<16xf32> -> vector<16xi32>
        %shift_right_logical3A_277 = arith.constant 1 : i32
        %shift_right_logical3A_278 = vector.broadcast %shift_right_logical3A_277 : i32 to vector<16xi32>
        %shift_right_logical3A_279 = arith.shrui %bitcast_convert_type3A_276, %shift_right_logical3A_278 : vector<16xi32>
        %sub3A_280 = arith.constant 1597463007 : i32
        %sub3A_281 = vector.broadcast %sub3A_280 : i32 to vector<16xi32>
        %sub3A_282 = arith.subi %sub3A_281, %shift_right_logical3A_279 : vector<16xi32>
        %bitcast_convert_type3A_283 = tpu.bitcast %sub3A_282 : vector<16xi32> -> vector<16xf32>
        %mul3A_284 = arith.constant 5.000000e-01 : f32
        %mul3A_285 = vector.broadcast %mul3A_284 : f32 to vector<16xf32>
        %mul3A_286 = arith.mulf %max3A_275, %mul3A_285 : vector<16xf32>
        %mul3A_287 = arith.mulf %mul3A_286, %bitcast_convert_type3A_283 : vector<16xf32>
        %mul3A_288 = arith.mulf %mul3A_287, %bitcast_convert_type3A_283 : vector<16xf32>
        %sub3A_289 = arith.constant 1.500000e+00 : f32
        %sub3A_290 = vector.broadcast %sub3A_289 : f32 to vector<16xf32>
        %sub3A_291 = arith.subf %sub3A_290, %mul3A_288 : vector<16xf32>
        %mul3A_292 = arith.mulf %bitcast_convert_type3A_283, %sub3A_291 : vector<16xf32>
        %mul3A_293 = arith.mulf %add3A_272, %mul3A_292 : vector<16xf32>
        %add3A_294 = arith.addf %add3A_232, %mul3A_293 : vector<16xf32>
        %mul3A_295 = arith.constant 5 : i32
        %mul3A_296 = arith.muli %scan3A_115, %mul3A_295 : i32
        %add3A_297 = arith.constant 3 : i32
        %add3A_298 = arith.addi %mul3A_296, %add3A_297 : i32
        %mul3A_299 = arith.constant 16 : i32
        %mul3A_300 = arith.muli %add3A_298, %mul3A_299 : i32
        %get3A_301 = arith.index_cast %mul3A_300 : i32 to index
        %get3A_302 = tpu.vector_load %arg18[%get3A_301] {strides = array<i32>} : memref<2000xi32, #tpu.memory_space<vmem>>, vector<16xi32>,
        %get3A_303 = arith.index_cast %mul3A_300 : i32 to index
        %get3A_304 = tpu.vector_load %arg20[%get3A_303] {strides = array<i32>} : memref<2000xi32, #tpu.memory_space<vmem>>, vector<16xi32>,
        %gather3A_305 = tpu.vector_load_idx %arg13[%get3A_302] : memref<50048xf32, #tpu.memory_space<vmem>>[vector<16xi32>], vector<16xf32>,
        %gather3A_306 = tpu.vector_load_idx %arg14[%get3A_302] : memref<50048xf32, #tpu.memory_space<vmem>>[vector<16xi32>], vector<16xf32>,
        %gather3A_307 = tpu.vector_load_idx %arg13[%get3A_304] : memref<50048xf32, #tpu.memory_space<vmem>>[vector<16xi32>], vector<16xf32>,
        %gather3A_308 = tpu.vector_load_idx %arg14[%get3A_304] : memref<50048xf32, #tpu.memory_space<vmem>>[vector<16xi32>], vector<16xf32>,
        %bitcast_convert_type3A_309 = tpu.bitcast %gather3A_305 : vector<16xf32> -> vector<16xi32>
        %bitcast_convert_type3A_310 = tpu.bitcast %gather3A_307 : vector<16xf32> -> vector<16xi32>
        %and3A_311 = arith.constant -65536 : i32
        %and3A_312 = vector.broadcast %and3A_311 : i32 to vector<16xi32>
        %and3A_313 = arith.andi %bitcast_convert_type3A_309, %and3A_312 : vector<16xi32>
        %bitcast_convert_type3A_314 = tpu.bitcast %and3A_313 : vector<16xi32> -> vector<16xf32>
        %and3A_315 = arith.constant -65536 : i32
        %and3A_316 = vector.broadcast %and3A_315 : i32 to vector<16xi32>
        %and3A_317 = arith.andi %bitcast_convert_type3A_310, %and3A_316 : vector<16xi32>
        %bitcast_convert_type3A_318 = tpu.bitcast %and3A_317 : vector<16xi32> -> vector<16xf32>
        %sub3A_319 = arith.subf %bitcast_convert_type3A_318, %bitcast_convert_type3A_314 : vector<16xf32>
        %shift_left3A_320 = arith.constant 16 : i32
        %shift_left3A_321 = vector.broadcast %shift_left3A_320 : i32 to vector<16xi32>
        %shift_left3A_322 = arith.shli %bitcast_convert_type3A_309, %shift_left3A_321 : vector<16xi32>
        %bitcast_convert_type3A_323 = tpu.bitcast %shift_left3A_322 : vector<16xi32> -> vector<16xf32>
        %shift_left3A_324 = arith.constant 16 : i32
        %shift_left3A_325 = vector.broadcast %shift_left3A_324 : i32 to vector<16xi32>
        %shift_left3A_326 = arith.shli %bitcast_convert_type3A_310, %shift_left3A_325 : vector<16xi32>
        %bitcast_convert_type3A_327 = tpu.bitcast %shift_left3A_326 : vector<16xi32> -> vector<16xf32>
        %sub3A_328 = arith.subf %bitcast_convert_type3A_327, %bitcast_convert_type3A_323 : vector<16xf32>
        %sub3A_329 = arith.subf %gather3A_308, %gather3A_306 : vector<16xf32>
        %mul3A_330 = arith.mulf %sub3A_319, %sub3A_319 : vector<16xf32>
        %mul3A_331 = arith.mulf %sub3A_328, %sub3A_328 : vector<16xf32>
        %add3A_332 = arith.addf %mul3A_330, %mul3A_331 : vector<16xf32>
        %mul3A_333 = arith.mulf %sub3A_329, %sub3A_329 : vector<16xf32>
        %add3A_334 = arith.addf %add3A_332, %mul3A_333 : vector<16xf32>
        %max3A_335 = arith.constant 1.000000e-30 : f32
        %max3A_336 = vector.broadcast %max3A_335 : f32 to vector<16xf32>
        %max3A_337 = arith.maximumf %add3A_334, %max3A_336 : vector<16xf32>
        %bitcast_convert_type3A_338 = tpu.bitcast %max3A_337 : vector<16xf32> -> vector<16xi32>
        %shift_right_logical3A_339 = arith.constant 1 : i32
        %shift_right_logical3A_340 = vector.broadcast %shift_right_logical3A_339 : i32 to vector<16xi32>
        %shift_right_logical3A_341 = arith.shrui %bitcast_convert_type3A_338, %shift_right_logical3A_340 : vector<16xi32>
        %sub3A_342 = arith.constant 1597463007 : i32
        %sub3A_343 = vector.broadcast %sub3A_342 : i32 to vector<16xi32>
        %sub3A_344 = arith.subi %sub3A_343, %shift_right_logical3A_341 : vector<16xi32>
        %bitcast_convert_type3A_345 = tpu.bitcast %sub3A_344 : vector<16xi32> -> vector<16xf32>
        %mul3A_346 = arith.constant 5.000000e-01 : f32
        %mul3A_347 = vector.broadcast %mul3A_346 : f32 to vector<16xf32>
        %mul3A_348 = arith.mulf %max3A_337, %mul3A_347 : vector<16xf32>
        %mul3A_349 = arith.mulf %mul3A_348, %bitcast_convert_type3A_345 : vector<16xf32>
        %mul3A_350 = arith.mulf %mul3A_349, %bitcast_convert_type3A_345 : vector<16xf32>
        %sub3A_351 = arith.constant 1.500000e+00 : f32
        %sub3A_352 = vector.broadcast %sub3A_351 : f32 to vector<16xf32>
        %sub3A_353 = arith.subf %sub3A_352, %mul3A_350 : vector<16xf32>
        %mul3A_354 = arith.mulf %bitcast_convert_type3A_345, %sub3A_353 : vector<16xf32>
        %mul3A_355 = arith.mulf %add3A_334, %mul3A_354 : vector<16xf32>
        %add3A_356 = arith.addf %add3A_294, %mul3A_355 : vector<16xf32>
        %mul3A_357 = arith.constant 5 : i32
        %mul3A_358 = arith.muli %scan3A_115, %mul3A_357 : i32
        %add3A_359 = arith.constant 4 : i32
        %add3A_360 = arith.addi %mul3A_358, %add3A_359 : i32
        %mul3A_361 = arith.constant 16 : i32
        %mul3A_362 = arith.muli %add3A_360, %mul3A_361 : i32
        %get3A_363 = arith.index_cast %mul3A_362 : i32 to index
        %get3A_364 = tpu.vector_load %arg18[%get3A_363] {strides = array<i32>} : memref<2000xi32, #tpu.memory_space<vmem>>, vector<16xi32>,
        %get3A_365 = arith.index_cast %mul3A_362 : i32 to index
        %get3A_366 = tpu.vector_load %arg20[%get3A_365] {strides = array<i32>} : memref<2000xi32, #tpu.memory_space<vmem>>, vector<16xi32>,
        %gather3A_367 = tpu.vector_load_idx %arg13[%get3A_364] : memref<50048xf32, #tpu.memory_space<vmem>>[vector<16xi32>], vector<16xf32>,
        %gather3A_368 = tpu.vector_load_idx %arg14[%get3A_364] : memref<50048xf32, #tpu.memory_space<vmem>>[vector<16xi32>], vector<16xf32>,
        %gather3A_369 = tpu.vector_load_idx %arg13[%get3A_366] : memref<50048xf32, #tpu.memory_space<vmem>>[vector<16xi32>], vector<16xf32>,
        %gather3A_370 = tpu.vector_load_idx %arg14[%get3A_366] : memref<50048xf32, #tpu.memory_space<vmem>>[vector<16xi32>], vector<16xf32>,
        %bitcast_convert_type3A_371 = tpu.bitcast %gather3A_367 : vector<16xf32> -> vector<16xi32>
        %bitcast_convert_type3A_372 = tpu.bitcast %gather3A_369 : vector<16xf32> -> vector<16xi32>
        %and3A_373 = arith.constant -65536 : i32
        %and3A_374 = vector.broadcast %and3A_373 : i32 to vector<16xi32>
        %and3A_375 = arith.andi %bitcast_convert_type3A_371, %and3A_374 : vector<16xi32>
        %bitcast_convert_type3A_376 = tpu.bitcast %and3A_375 : vector<16xi32> -> vector<16xf32>
        %and3A_377 = arith.constant -65536 : i32
        %and3A_378 = vector.broadcast %and3A_377 : i32 to vector<16xi32>
        %and3A_379 = arith.andi %bitcast_convert_type3A_372, %and3A_378 : vector<16xi32>
        %bitcast_convert_type3A_380 = tpu.bitcast %and3A_379 : vector<16xi32> -> vector<16xf32>
        %sub3A_381 = arith.subf %bitcast_convert_type3A_380, %bitcast_convert_type3A_376 : vector<16xf32>
        %shift_left3A_382 = arith.constant 16 : i32
        %shift_left3A_383 = vector.broadcast %shift_left3A_382 : i32 to vector<16xi32>
        %shift_left3A_384 = arith.shli %bitcast_convert_type3A_371, %shift_left3A_383 : vector<16xi32>
        %bitcast_convert_type3A_385 = tpu.bitcast %shift_left3A_384 : vector<16xi32> -> vector<16xf32>
        %shift_left3A_386 = arith.constant 16 : i32
        %shift_left3A_387 = vector.broadcast %shift_left3A_386 : i32 to vector<16xi32>
        %shift_left3A_388 = arith.shli %bitcast_convert_type3A_372, %shift_left3A_387 : vector<16xi32>
        %bitcast_convert_type3A_389 = tpu.bitcast %shift_left3A_388 : vector<16xi32> -> vector<16xf32>
        %sub3A_390 = arith.subf %bitcast_convert_type3A_389, %bitcast_convert_type3A_385 : vector<16xf32>
        %sub3A_391 = arith.subf %gather3A_370, %gather3A_368 : vector<16xf32>
        %mul3A_392 = arith.mulf %sub3A_381, %sub3A_381 : vector<16xf32>
        %mul3A_393 = arith.mulf %sub3A_390, %sub3A_390 : vector<16xf32>
        %add3A_394 = arith.addf %mul3A_392, %mul3A_393 : vector<16xf32>
        %mul3A_395 = arith.mulf %sub3A_391, %sub3A_391 : vector<16xf32>
        %add3A_396 = arith.addf %add3A_394, %mul3A_395 : vector<16xf32>
        %max3A_397 = arith.constant 1.000000e-30 : f32
        %max3A_398 = vector.broadcast %max3A_397 : f32 to vector<16xf32>
        %max3A_399 = arith.maximumf %add3A_396, %max3A_398 : vector<16xf32>
        %bitcast_convert_type3A_400 = tpu.bitcast %max3A_399 : vector<16xf32> -> vector<16xi32>
        %shift_right_logical3A_401 = arith.constant 1 : i32
        %shift_right_logical3A_402 = vector.broadcast %shift_right_logical3A_401 : i32 to vector<16xi32>
        %shift_right_logical3A_403 = arith.shrui %bitcast_convert_type3A_400, %shift_right_logical3A_402 : vector<16xi32>
        %sub3A_404 = arith.constant 1597463007 : i32
        %sub3A_405 = vector.broadcast %sub3A_404 : i32 to vector<16xi32>
        %sub3A_406 = arith.subi %sub3A_405, %shift_right_logical3A_403 : vector<16xi32>
        %bitcast_convert_type3A_407 = tpu.bitcast %sub3A_406 : vector<16xi32> -> vector<16xf32>
        %mul3A_408 = arith.constant 5.000000e-01 : f32
        %mul3A_409 = vector.broadcast %mul3A_408 : f32 to vector<16xf32>
        %mul3A_410 = arith.mulf %max3A_399, %mul3A_409 : vector<16xf32>
        %mul3A_411 = arith.mulf %mul3A_410, %bitcast_convert_type3A_407 : vector<16xf32>
        %mul3A_412 = arith.mulf %mul3A_411, %bitcast_convert_type3A_407 : vector<16xf32>
        %sub3A_413 = arith.constant 1.500000e+00 : f32
        %sub3A_414 = vector.broadcast %sub3A_413 : f32 to vector<16xf32>
        %sub3A_415 = arith.subf %sub3A_414, %mul3A_412 : vector<16xf32>
        %mul3A_416 = arith.mulf %bitcast_convert_type3A_407, %sub3A_415 : vector<16xf32>
        %mul3A_417 = arith.mulf %add3A_396, %mul3A_416 : vector<16xf32>
        %add3A_418 = arith.addf %add3A_356, %mul3A_417 : vector<16xf32>
        scf.yield %add3A_418 : vector<16xf32>
      }
      %scan3A_107 = arith.constant 25 : i32
      %add3A_108 = arith.constant 2 : i32
      %add3A_109 = arith.addi %add3A_94, %add3A_108 : i32
      %lt3A_110 = arith.constant 50 : i32
      %lt3A_111 = arith.cmpi slt, %add3A_109, %lt3A_110 : i32
      %convert_element_type3A_112 = arith.extui %lt3A_111 : i1 to i32
      %cond3A_113 = arith.constant 0 : i32
      %cond3A_114 = arith.cmpi ne, %convert_element_type3A_112, %cond3A_113 : i32
      scf.if %cond3A_114 {
        %add3A_115 = arith.constant 2 : i32
        %add3A_116 = arith.addi %add3A_94, %add3A_115 : i32
        %mul3A_117 = arith.constant 2000 : i32
        %mul3A_118 = arith.muli %add3A_116, %mul3A_117 : i32
        %add3A_119 = arith.addi %multiple_of3A_44, %mul3A_118 : i32
        %dma_start3A_120 = tpu.memref_slice %arg8[%add3A_119] : memref<3200000xi32, #tpu.memory_space<hbm>> -> memref<2000xi32, #tpu.memory_space<hbm>>
        %dma_start3A_121 = tpu.memref_slice %arg8[%add3A_119] : memref<3200000xi32, #tpu.memory_space<hbm>> -> memref<2000xi32, #tpu.memory_space<hbm>>
        tpu.enqueue_dma source(%dma_start3A_121 : memref<2000xi32, #tpu.memory_space<hbm>>) target(%arg18 : memref<2000xi32, #tpu.memory_space<vmem>>) target_semaphore(%arg24 : memref<!tpu.dma_semaphore, #tpu.memory_space<semaphore_mem>>)
        %dma_start3A_122 = tpu.memref_slice %arg9[%add3A_119] : memref<3200000xi32, #tpu.memory_space<hbm>> -> memref<2000xi32, #tpu.memory_space<hbm>>
        %dma_start3A_123 = tpu.memref_slice %arg9[%add3A_119] : memref<3200000xi32, #tpu.memory_space<hbm>> -> memref<2000xi32, #tpu.memory_space<hbm>>
        tpu.enqueue_dma source(%dma_start3A_123 : memref<2000xi32, #tpu.memory_space<hbm>>) target(%arg20 : memref<2000xi32, #tpu.memory_space<vmem>>) target_semaphore(%arg26 : memref<!tpu.dma_semaphore, #tpu.memory_space<semaphore_mem>>)
      } else {
      }
      scf.yield %scan3A_106 : vector<16xf32>
    }
    %scan3A_63 = arith.constant 25 : i32
    %swap3A = arith.constant 0 : index
    %swap3A_64 = tpu.vector_load %arg21[%swap3A] {strides = array<i32>} : memref<16xf32, #tpu.memory_space<vmem>>, vector<16xf32>,
    tpu.vector_store %arg21[%swap3A], %scan3A_62 {strides = array<i32>} : memref<16xf32, #tpu.memory_space<vmem>>, vector<16xf32>,
    %mul3A_65 = arith.constant 16 : i32
    %mul3A_66 = arith.muli %add3A, %mul3A_65 : i32
    %multiple_of3A_67 = tpu.assume_multiple %mul3A_66, 8 : i32
    "tpu.region"() ({
      %run_scoped3A = tpu.sem_alloc : memref<!tpu.dma_semaphore, #tpu.memory_space<semaphore_mem>>
      %dma_start3A_68 = tpu.memref_slice %arg10[%multiple_of3A_67] : memref<512xf32, #tpu.memory_space<hbm>> -> memref<16xf32, #tpu.memory_space<hbm>>
      %dma_start3A_69 = tpu.memref_slice %arg10[%multiple_of3A_67] : memref<512xf32, #tpu.memory_space<hbm>> -> memref<16xf32, #tpu.memory_space<hbm>>
      tpu.enqueue_dma source(%arg21 : memref<16xf32, #tpu.memory_space<vmem>>) target(%dma_start3A_69 : memref<16xf32, #tpu.memory_space<hbm>>) target_semaphore(%run_scoped3A : memref<!tpu.dma_semaphore, #tpu.memory_space<semaphore_mem>>)
      %dma_wait3A_70 = tpu.memref_slice %arg10[%multiple_of3A_67] : memref<512xf32, #tpu.memory_space<hbm>> -> memref<16xf32, #tpu.memory_space<hbm>>
      %dma_wait3A_71 = tpu.memref_slice %arg10[%multiple_of3A_67] : memref<512xf32, #tpu.memory_space<hbm>> -> memref<16xf32, #tpu.memory_space<hbm>>
      tpu.wait_dma2 semaphore(%run_scoped3A : memref<!tpu.dma_semaphore, #tpu.memory_space<semaphore_mem>>) src(%arg21 : memref<16xf32, #tpu.memory_space<vmem>>) dst(%dma_wait3A_71 : memref<16xf32, #tpu.memory_space<hbm>>)
      tpu.yield
    }) : () -> ()
    return
  }
}

</mosaic_0001>

<sc_bundles>
// kernel: _edge_loss.3.cloned.1.call-start
scs
__scs_entry_jumppad:
0x0: {  	(pc) =	sbr.rel $0x88, $3  }
0x1: {  	(tag) =	ssettag $0x0;
	lr =	simm.s32 $0x1  }
0x2: {  	[smem:$0x3F99] =	sst lr;
	_ =	strace $0xD0000000  }
0x3: {  	_ = 	snop  }
0x4: {  	_ = 	snop  }
0x5: {  	_ = 	snop  }
0x6: {  	_ = 	snop  }
0x7: {  	_ = 	snop  }
__scs_overlays_trampoline_lowered:
0x8: {  	[smem:$0x3FA8] =	sst s0  }
0x9: {  	[smem:$0x3FA9] =	sst s1  }
0xa: {  	[smem:$0x3FAA] =	sst s2  }
0xb: {  	[smem:$0x3FAB] =	sst s3  }
0xc: {  	[smem:$0x3FAC] =	sst s4  }
0xd: {  	[smem:$0x3FAD] =	sst s5  }
0xe: {  	[smem:$0x3FAE] =	sst s6  }
0xf: {  	[smem:$0x3FAF] =	sst s7  }
0x10: {  	[smem:$0x3FB0] =	sst s8  }
0x11: {  	[smem:$0x3FB1] =	sst s9;
	s0 =	simm.s32 @!p0 $0x0  }
0x12: {  	s1 =	sld [smem:$0x3F97];
	s0 =	simm.s32 @p0 $0x1  }
0x13: {  	[smem:$0x3FB2] =	sst s0;
	s0 =	simm.s32 @!p1 $0x0  }
0x14: {  	s2 =	sld [smem:$0x3F96];
	s0 =	simm.s32 @p1 $0x1  }
0x15: {  	[smem:$0x3FB3] =	sst s0;
	s0 =	simm.s32 @!p2 $0x0  }
0x16: {  	s3 =	sld [smem:$0x3FDB];
	s0 =	simm.s32 @p2 $0x1  }
0x17: {  	s4 =	simm.s32 $0x1BF5;
	[smem:$0x3FB5] =	sst s0  }
0x18: {  	s0 =	sld [smem:$0x3F98];
	_ =	swait.ge [sflag:s4], $0x0  }
0x19: {  	s7 =	sld [smem:$0x3F99]  }
0x1a: {  	s8 =	sadd.s32 $0xFFFFE003, lr  }
0x1b: {  	s9 =	sadd.s32 $0xFFFFFEF7, lr;
	s5 =	simm.s32 $0xFFFFFFFF;
	p2 =	slt.u32 s8, $0xFFFFF086  }
0x1c: {  	p1 =	slt.u32 s9, $0xF7A;
	s5 =	simm.s32 @!p2 $0x0  }
0x1d: {  	s5 =	simm.s32 @p1 $0x1;
	p0 =	seq.s32 s7, s2  }
0x1e: {  	s7 =	smul.u32 @!p0 $0xF7A, s2;
	p2 =	seq.s32 @!p0 s5, $0x0  }
0x1f: {  	s9 =	smul.u32 $0xF7A, s1;
	s8 =	simm.s32 @!p0 $0x1BF5;
	p2 =	por !p2, p0  }
0x20: {  	[sflag:s8] =	ssyncset.s32 @!p0 $0xFFFFF086;
	s6 =	sadd.s32 @!p0 s3, s7;
	s7 =	simm.s32 @!p0 $0x108  }
0x21: {  	s3 =	sadd.s32 s3, s9;
	s6 =	sadd.s32 @!p0 $0x88, s6;
	s7 =	simm.s32 @p2 $0x1082  }
0x22: {  	[simem:s7], [sflag:s8] =	dma.local @!p0 [hbm:s6], $0xF7A  }
0x23: {  	s9 =	sor.u32 $0xD0000000, s2;
	s6 =	simm.s32 $0x108;
	_ =	swait.ge @!p0 [sflag:s8], $0x0  }
0x24: {  	s3 =	sadd.s32 $0x88, s3;
	s6 =	simm.s32 @!p1 $0x1082;
	[sflag:s4] =	ssyncset.s32 $0xFFFFF086  }
0x25: {  	[simem:s6], [sflag:s4] =	dma.local [hbm:s3], $0xF7A  }
0x26: {  	[smem:$0x3F99] =	sst s1;
	(tag) =	ssettag s2;
	_ =	strace s9  }
0x27: {  	s1 =	sld [smem:$0x3FA9]  }
0x28: {  	s2 =	sld [smem:$0x3FAA]  }
0x29: {  	s4 =	sld [smem:$0x3FAC]  }
0x2a: {  	p0 =	seq.s32 s5, $0x0;
	s5 =	sld [smem:$0x3FAD]  }
0x2b: {  	s6 =	sld [smem:$0x3FAE]  }
0x2c: {  	s7 =	sld [smem:$0x3FAF]  }
0x2d: {  	s3 =	simm.s32 $0x108;
	s8 =	sld [smem:$0x3FB0]  }
0x2e: {  	s3 =	simm.s32 @!p0 $0x1082;
	s9 =	sld [smem:$0x3FB1]  }
0x2f: {  	lr =	sadd.s32 s0, s3;
	s0 =	sld [smem:$0x3FA8]  }
0x30: {  	s3 =	sld [smem:$0x3FAB]  }
0x31: {  	[smem:$0x3FB4] =	sst s10  }
0x32: {  	s10 =	sld [smem:$0x3FB2];
	_ =	sdelay $0x3  }
0x33: {  	p0 =	seq.s32 s10, $0x1;
	s10 =	sld [smem:$0x3FB4];
	_ =	sdelay $0x3  }
0x34: {  	[smem:$0x3FB4] =	sst s10  }
0x35: {  	s10 =	sld [smem:$0x3FB3];
	_ =	sdelay $0x3  }
0x36: {  	p1 =	seq.s32 s10, $0x1;
	s10 =	sld [smem:$0x3FB4];
	_ =	sdelay $0x3  }
0x37: {  	[smem:$0x3FB4] =	sst s10  }
0x38: {  	s10 =	sld [smem:$0x3FB5]  }
0x39: {  	_ = 	snop;
	(pc) =	sbr.ind lr, $3  }
0x3a: {  	_ = 	snop  }
0x3b: {  	_ = 	snop  }
0x3c: {  	p2 =	seq.s32 s10, $0x1;
	s10 =	sld [smem:$0x3FB4]  }
0x3d: {  	_ =	shalt  }
0x3e: {  	_ =	shalt  }
0x3f: {  	_ =	shalt  }
0x40: {  	_ =	shalt  }
0x41: {  	_ =	shalt  }
0x42: {  	_ =	shalt  }
0x43: {  	_ =	shalt  }
0x44: {  	_ =	shalt  }
0x45: {  	_ =	shalt  }
0x46: {  	_ =	shalt  }
0x47: {  	_ =	shalt  }
0x48: {  	_ =	shalt  }
0x49: {  	_ =	shalt  }
0x4a: {  	_ =	shalt  }
0x4b: {  	_ =	shalt  }
0x4c: {  	_ =	shalt  }
0x4d: {  	_ =	shalt  }
0x4e: {  	_ =	shalt  }
0x4f: {  	_ =	shalt  }
0x50: {  	_ =	shalt  }
0x51: {  	_ =	shalt  }
0x52: {  	_ =	shalt  }
0x53: {  	_ =	shalt  }
0x54: {  	_ =	shalt  }
0x55: {  	_ =	shalt  }
0x56: {  	_ =	shalt  }
0x57: {  	_ =	shalt  }
0x58: {  	_ =	shalt  }
0x59: {  	_ =	shalt  }
0x5a: {  	_ =	shalt  }
0x5b: {  	_ =	shalt  }
0x5c: {  	_ =	shalt  }
0x5d: {  	_ =	shalt  }
0x5e: {  	_ =	shalt  }
0x5f: {  	_ =	shalt  }
0x60: {  	_ =	shalt  }
0x61: {  	_ =	shalt  }
0x62: {  	_ =	shalt  }
0x63: {  	_ =	shalt  }
0x64: {  	_ =	shalt  }
0x65: {  	_ =	shalt  }
0x66: {  	_ =	shalt  }
0x67: {  	_ =	shalt  }
0x68: {  	_ =	shalt  }
0x69: {  	_ =	shalt  }
0x6a: {  	_ =	shalt  }
0x6b: {  	_ =	shalt  }
0x6c: {  	_ =	shalt  }
0x6d: {  	_ =	shalt  }
0x6e: {  	_ =	shalt  }
0x6f: {  	_ =	shalt  }
0x70: {  	_ =	shalt  }
0x71: {  	_ =	shalt  }
0x72: {  	_ =	shalt  }
0x73: {  	_ =	shalt  }
0x74: {  	_ =	shalt  }
0x75: {  	_ =	shalt  }
0x76: {  	_ =	shalt  }
0x77: {  	_ =	shalt  }
0x78: {  	_ =	shalt  }
0x79: {  	_ =	shalt  }
0x7a: {  	_ =	shalt  }
0x7b: {  	_ =	shalt  }
0x7c: {  	_ =	shalt  }
0x7d: {  	_ =	shalt  }
0x7e: {  	_ =	shalt  }
0x7f: {  	_ =	shalt  }
0x80: {  	_ =	shalt  }
0x81: {  	_ =	shalt  }
0x82: {  	_ =	shalt  }
0x83: {  	_ =	shalt  }
0x84: {  	_ =	shalt  }
0x85: {  	_ =	shalt  }
0x86: {  	_ =	shalt  }
0x87: {  	_ =	shalt  }
.Lfunc_end0:
.L_simem_size_0:
called_computation_lowered:
.L_overlay_start_0:
0x88: {  	s2 =	sld [smem:$0x3FD9]  }
0x89: {  	s3 =	sld [smem:$0x3FFE];
	_ =	sdelay $0x1  }
0x8a: {  	s1 =	srdreg.scid  }
0x8b: {  	s0 =	sand.u32 $0x1, s1  }
0x8c: {  	s18 =	sshll.u32 s0, $0xA;
	s2 =	sadd.s32 s3, s2  }
0x8d: {  	s2 =	sadd.s32 s2, s18  }
0x8e: {  	[smem:$0x3FC0] =	sst s2  }
0x8f: {  	_ = 	snop  }
0x90: {  	s2 =	sld [smem:$0x3FC9]  }
0x91: {  	s19 =	sld [smem:$0x3FC8]  }
0x92: {  	s4 =	sld [smem:$0x3FC7]  }
0x93: {  	s5 =	sld [smem:$0x3FC6]  }
0x94: {  	s6 =	sld [smem:$0x3FC5]  }
0x95: {  	s7 =	sld [smem:$0x3FC4]  }
0x96: {  	s8 =	sld [smem:$0x3FC3]  }
0x97: {  	s9 =	sld [smem:$0x3FC2]  }
0x98: {  	s10 =	sld [smem:$0x3FD0];
	(tm) =	ssettm $0x1  }
0x99: {  	s11 =	sld [smem:$0x3FFB];
	_ =	sdelay $0x3  }
0x9a: {  	_ =	strace s11  }
0x9b: {  	s11 =	sld [smem:$0x3FFC];
	_ =	sdelay $0x3  }
0x9c: {  	_ =	strace s11  }
0x9d: {  	s11 =	sld [smem:$0x3FFD];
	_ =	sdelay $0x3  }
0x9e: {  	_ =	strace s11  }
0x9f: {  	_ =	strace $0x8FFFFFFF  }
0xa0: {  	s20 =	sld [smem:$0x3FDB];
	_ =	sdelay $0x1  }
0xa1: {  	s12 =	simm.s32 $_scs_section_size  }
0xa2: {  	s13 =	simm.s32 $_size__tile_overlayer_lowered;
	s14 =	simm.s32 $_tile_overlayer_lowered  }
0xa3: {  	s23 =	simm.s32 $0x1BFF;
	s22 =	sshll.u32 s14, $0x1;
	s11 =	sadd.s32 s12, s20  }
0xa4: {  	s15 =	simm.s32 $0x0;
	s21 =	sshll.u32 s13, $0x1;
	s13 =	sadd.s32 s22, s11  }
0xa5: {  	[timem:s15], [sflag:s23] =	dma.local [hbm:s13], s21  }
0xa6: {  	_ =	swait.ge [sflag:s23], s21  }
0xa7: {  	s12 =	ssub.s32 $0x0, s21;
	[sflag:s23] =	ssyncset.done $0x0  }
0xa8: {  	[sflag:s23] =	ssyncadd.s32 s12;
	_ =	sdelay $0x1  }
0xa9: {  	s24 =	simm.s32 $0x1B8B  }
0xaa: {  	_ =	swait.ge [sflag:s24], $0x1  }
0xab: {  	[sflag:s24] =	ssyncset.done $0x0  }
0xac: {  	s25 =	simm.s32 $0x1B8E;
	[sflag:s24] =	ssyncadd.s32 $0xFFFFFFFF  }
0xad: {  	s26 =	simm.s32 $execute0_lowered;
	[smem:$0x3FD2] =	sst s25  }
0xae: {  	s12 =	sshll.u32 s26, $0x1;
	_ =	strace $0x80000046;
	[dreg:$0x1] =	wrdreg $0xFFFFFFFF  }
0xaf: {  	s28 =	simm.s32 $_size_execute0_lowered;
	s11 =	sadd.s32 s11, s12;
	[dreg:$0x0] =	wrdreg $0x0  }
0xb0: {  	s12 =	sshll.u32 s28, $0x1;
	[dreg:$0x2] =	wrdreg s11  }
0xb1: {  	[dreg:$0x3] =	wrdreg s12  }
0xb2: {  	[dreg:$0x4] =	wrdreg $0xC0  }
0xb3: {  	_ =	task [dreg:s15], $0x5FFFF  }
0xb4: {  	[dreg:$0x1] =	wrdreg $0xFFFFFFFF  }
0xb5: {  	[dreg:$0x0] =	wrdreg $0x60  }
0xb6: {  	[dreg:$0x2] =	wrdreg s2  }
0xb7: {  	[dreg:$0x3] =	wrdreg s19  }
0xb8: {  	[dreg:$0x4] =	wrdreg s4  }
0xb9: {  	[dreg:$0x5] =	wrdreg s5  }
0xba: {  	[dreg:$0x6] =	wrdreg s6  }
0xbb: {  	[dreg:$0x7] =	wrdreg s7  }
0xbc: {  	[dreg:$0x8] =	wrdreg s8  }
0xbd: {  	[dreg:$0x9] =	wrdreg s9  }
0xbe: {  	[dreg:$0xa] =	wrdreg s10  }
0xbf: {  	[dreg:$0xb] =	wrdreg $0x0  }
0xc0: {  	[dreg:$0xc] =	wrdreg $0xC380  }
0xc1: {  	[dreg:$0xd] =	wrdreg $0x9  }
0xc2: {  	_ =	task.clear_ibuf [dreg:s15], $0xEFFFF;
	_ =	strace $0x90000046  }
0xc3: {  	s29 =	simm.s32 $0x9;
	_ =	strace $0x80000048  }
0xc4: {  	_ =	swait.ge [sflag:s29], $0x1  }
0xc5: {  	[sflag:s29] =	ssyncadd.s32 $0xFFFFFFFF  }
0xc6: {  	_ =	strace $0x90000048  }
0xc7: {  	_ =	sfence  }
0xc8: {  	s30 =	sld [smem:$0x0];
	_ =	sdelay $0x2  }
0xc9: {  	s31 =	sshll.u32 s1, $0xD;
	s1 =	sshrl.u32 s1, $0x2  }
0xca: {  	s3 =	sand.u32 $0x4000, s31;
	s1 =	sadd.s32 s1, s30  }
0xcb: {  	s0 =	sor.u32 s3, s0;
	s1 =	sshll.u32 s1, $0x11  }
0xcc: {  	s0 =	sor.u32 s1, s0  }
0xcd: {  	s0 =	sadd.s32 $0x8F2B, s0  }
0xce: {  	[sflag:s0] =	ssyncadd.remote.s32 $0x1  }
0xcf: {  	_ =	sfence.sel $0xFFFF  }
0xd0: {  	[dreg:$0x0] =	wrdreg $0xFFFFFFFF;
	(pc) =	sbr.abs _section_cstart, $3  }
0xd1: {  	[dreg:$0x1] =	wrdreg $0xFFFFFFFF  }
0xd2: {  	_ =	task.clear_ibuf [dreg:s15], $0x2FFFF;
	_ =	strace $0x9FFFFFFF  }
0xd3: {  	(tm) =	ssettm $0x7FFFFFFF  }
tec
execute0_lowered:
.L_overlay_start_1:
0x0: {  	(tag) =	ssettag $0x1  }
0x1: {  	s0 =	rddreg [dreg:$0x0]  }
0x2: {  	s3 =	rddreg [dreg:$0x1]  }
0x3: {  	s4 =	rddreg [dreg:$0x2]  }
0x4: {  	s5 =	rddreg [dreg:$0x3]  }
0x5: {  	s8 =	rddreg [dreg:$0x4]  }
0x6: {  	s9 =	rddreg [dreg:$0x5]  }
0x7: {  	s1 =	rddreg [dreg:$0x6]  }
0x8: {  	s2 =	rddreg [dreg:$0x7]  }
0x9: {  	s11 =	rddreg [dreg:$0x8]  }
0xa: {  	s16 =	rddreg [dreg:$0x9]  }
0xb: {  	s17 =	rddreg [dreg:$0xa];
	s7 =	srdreg.scid  }
0xc: {  	s6 =	simm.s32 $0x0;
	s14 =	stileid.u32;
	s28 =	simm.s32 $0x1ABF0  }
0xd: {  	s29 =	simm.s32 $0x1;
	s30 =	simm.s32 $0x6;
	s31 =	simm.s32 $0x1870  }
0xe: {  	s10 =	sand.u32 $0x1, s7;
	[smem:$0x7FF] =	sst s6;
	s7 =	smul.u32 $0xC38, s14  }
0xf: {  	s14 =	sshll.u32 s14, $0x1;
	s12 =	ssub.s32 $0x2, s10;
	_ =	strace $0x80000047  }
0x10: {  	s14 =	sor.u32 s10, s14;
	s13 =	sshrl.u32 s12, $0x1;
	s22 =	sadd.s32 s7, s16  }
0x11: {  	s26 =	sshrl.u32 s7, $0x3;
	s24 =	sadd.s32 s7, s17;
	[dreg:$0x12] =	wrdreg s22  }
0x12: {  	s10 =	sadd.s32 $0x1870, s7;
	s0 =	sadd.s32 s0, s26;
	[dreg:$0x13] =	wrdreg s24  }
0x13: {  	s18 =	smul.u32 $0x186A0, s14;
	s5 =	sadd.s32 s5, s26;
	[dreg:$0xc] =	wrdreg s0  }
0x14: {  	s15 =	sadd.s32 $0xDBF0, s7;
	s3 =	sadd.s32 s3, s26;
	[dreg:$0xd] =	wrdreg s5  }
0x15: {  	s12 =	ssub.s32 s12, s13;
	s20 =	sadd.s32 s8, s26;
	[dreg:$0xe] =	wrdreg s3  }
0x16: {  	s4 =	sadd.s32 s4, s26;
	s21 =	sadd.s32 s9, s26;
	[dreg:$0xf] =	wrdreg s20  }
0x17: {  	s8 =	simm.s32 $0x4;
	s9 =	simm.s32 $0x3;
	[dreg:$0x10] =	wrdreg s4  }
0x18: {  	[dreg:$0x11] =	wrdreg s21;
	s23 =	sshrl.u32 s18, $0x3;
	s0 =	sshll.u32 s14, $0x1  }
0x19: {  	s24 =	sadd.s32 $0x1770, s18;
	s5 =	simm.s32 $0x1C070;
	s4 =	simm.s32 $0x1D070  }
.Ltmp0:
0x1a: {  	s3 =	simm.s32 $0x2;
	s25 =	sadd.s32 s1, s23;
	(pc) =	sbr.rel .LBB2_1-.Ltmp0, $4  }
0x1b: {  	s26 =	sadd.s32 $0xFA, s23;
	s19 =	sadd.s32 s2, s23;
	s22 =	sadd.s32 s11, s0  }
0x1c: {  	s23 =	sadd.s32 $0xFA0, s18;
	s0 =	simm.s32 $0xDBF0;
	s11 =	simm.s32 $0x5  }
0x1d: {  	v0 =	vmov s10;
	[dreg:$0x14] =	wrdreg s25;
	s20 =	sadd.s32 s1, s26;
	s21 =	sadd.s32 s2, s26  }
0x1e: {  	v1 =	vmov s15;
	s25 =	smax.u32 s12, $0x1;
	s26 =	simm.s32 $0x19F70;
	s12 =	simm.s32 $0x0  }
.LBB2_14:
0x1f: {  	s12 =	sadd.s32 $0x1, s12  }
0x20: {  	p0 =	sne.s32 s12, s25  }
.Ltmp1:
0x21: {  	[tilespmem:$0x1D870] =	vst v2;
	s13 =	simm.s32 $0x1D870;
	(pc) =	sbr.rel @!p0 .LBB2_15-.Ltmp1, $4  }
0x22: {  	[hbm4b:s22+s6] =	stream.linear.scatter [tilespmem:s13], [sflag:$0x6], $0x10, $0x38;
	[tilespmem:$0x1D8F0] =	vst v63  }
0x23: {  	_ =	swait.ge [sflag:s30], $0x10  }
0x24: {  	[sflag:s30] =	ssyncset.done $0x0  }
0x25: {  	[sflag:s30] =	ssyncadd.s32 $0xFFFFFFF0  }
.LBB2_1:
0x26: {  	s13 =	rddreg [dreg:$0xc]  }
0x27: {  	[tilespmem:s26], [sflag:$0x1] =	stream.linear.gather [hbm4b:s13+s6], $0xC38, $0x38;
	[tilespmem:$0x1D8F0] =	vst v63  }
0x28: {  	s18 =	rddreg [dreg:$0xd]  }
0x29: {  	[tilespmem:s28], [sflag:$0x1] =	stream.linear.gather [hbm4b:s18+s6], $0xC38, $0x38;
	[tilespmem:$0x1D8F0] =	vst v63  }
0x2a: {  	_ =	swait.ge [sflag:s29], $0xC38  }
0x2b: {  	[sflag:s29] =	ssyncset.done $0x0  }
0x2c: {  	[sflag:s29] =	ssyncadd.s32 $0xFFFFF3C8  }
0x2d: {  	_ =	swait.ge [sflag:s29], $0xC38  }
0x2e: {  	[sflag:s29] =	ssyncset.done $0x0  }
0x2f: {  	s13 =	simm.s32 $0x0;
	[sflag:s29] =	ssyncadd.s32 $0xFFFFF3C8  }
0x30: {  	s14 =	simm.s32 $0x40;
	v2 =	vld [tilespmem:s13+$0x1ABF0]  }
.LBB2_2:
0x31: {  	p0 =	sne.s32 s14, $0x3080;
	v3 =	vld [tilespmem:s13+$0x19F70];
	_ =	sdelay $0x4  }
0x32: {  	v2 =	vsub.f32 v3, v2  }
.Ltmp2:
0x33: {  	(pc) =	sbr.rel @p0 .LBB2_2-.Ltmp2, $4  }
0x34: {  	v2 =	vadd.s32 $0x8000, v2  }
0x35: {  	v2 =	vand.u32 $0xFFFF0000, v2  }
0x36: {  	[tilespmem:v0+s13+$0x0 ss:$0x1] =	vst.idx.msk $0xffff, v2;
	s13 =	sshra.s32 s14, $0x2  }
0x37: {  	s14 =	sadd.s32 $0x40, s14;
	v2 =	vld [tilespmem:s13+$0x1ABF0]  }
0x38: {  	v3 =	vld [tilespmem:s13+$0x19F70];
	_ =	sdelay $0x4  }
0x39: {  	v2 =	vsub.f32 v3, v2;
	_ =	sdelay $0x1  }
0x3a: {  	v2 =	vadd.s32 $0x8000, v2  }
0x3b: {  	v2 =	vand.u32 $0xFFFF0000, v2  }
0x3c: {  	[tilespmem:v0+s13+$0x0 ss:$0x1] =	vst.idx.msk $0xffff, v2  }
0x3d: {  	v2 =	vld [tilespmem:$0x1AB98]  }
0x3e: {  	v3 =	vld [tilespmem:$0x1B818];
	_ =	sdelay $0x4  }
0x3f: {  	v2 =	vsub.f32 v2, v3;
	_ =	sdelay $0x1  }
0x40: {  	v2 =	vadd.s32 $0x8000, v2  }
0x41: {  	v2 =	vand.u32 $0xFFFF0000, v2  }
0x42: {  	s17 =	simm.s32 $0x0;
	s14 =	rddreg [dreg:$0xe];
	[tilespmem:s7+$0x2498] =	vst v2  }
0x43: {  	[tilespmem:s26], [sflag:$0x1] =	stream.linear.gather [hbm4b:s14+s17], $0xC38, $0x38;
	[tilespmem:$0x1D8F0] =	vst v63  }
0x44: {  	s18 =	rddreg [dreg:$0xf]  }
0x45: {  	[tilespmem:s28], [sflag:$0x1] =	stream.linear.gather [hbm4b:s18+s17], $0xC38, $0x38;
	[tilespmem:$0x1D8F0] =	vst v63  }
0x46: {  	_ =	swait.ge [sflag:s29], $0xC38  }
0x47: {  	[sflag:s29] =	ssyncset.done $0x0  }
0x48: {  	[sflag:s29] =	ssyncadd.s32 $0xFFFFF3C8  }
0x49: {  	_ =	swait.ge [sflag:s29], $0xC38  }
0x4a: {  	[sflag:s29] =	ssyncset.done $0x0  }
0x4b: {  	s13 =	simm.s32 $0x0;
	[sflag:s29] =	ssyncadd.s32 $0xFFFFF3C8  }
0x4c: {  	s14 =	simm.s32 $0x40;
	v2 =	vld [tilespmem:s13+$0x1ABF0]  }
.LBB2_4:
0x4d: {  	p0 =	sne.s32 s14, $0x3080;
	v3 =	vld [tilespmem:s13+$0x19F70];
	_ =	sdelay $0x2  }
0x4e: {  	v4 =	vld.idx.msk [tilespmem:v0+s13+$0x0 ss:$0x1], $0xffff;
	_ =	sdelay $0x1  }
0x4f: {  	v2 =	vsub.f32 v3, v2;
	_ =	sdelay $0x1  }
.Ltmp3:
0x50: {  	v2 =	vadd.s32 $0x8000, v2;
	(pc) =	sbr.rel @p0 .LBB2_4-.Ltmp3, $4  }
0x51: {  	v2 =	vshrl.u32 v2, $0x10  }
0x52: {  	v2 =	vor.u32 v4, v2  }
0x53: {  	[tilespmem:v0+s13+$0x0 ss:$0x1] =	vst.idx.msk $0xffff, v2;
	s13 =	sshra.s32 s14, $0x2  }
0x54: {  	s14 =	sadd.s32 $0x40, s14;
	v2 =	vld [tilespmem:s13+$0x1ABF0]  }
0x55: {  	v3 =	vld [tilespmem:s13+$0x19F70];
	_ =	sdelay $0x3  }
0x56: {  	v4 =	vld.idx.msk [tilespmem:v0+s13+$0x0 ss:$0x1], $0xffff  }
0x57: {  	v2 =	vsub.f32 v3, v2;
	_ =	sdelay $0x1  }
0x58: {  	v2 =	vadd.s32 $0x8000, v2  }
0x59: {  	v2 =	vshrl.u32 v2, $0x10  }
0x5a: {  	v2 =	vor.u32 v4, v2  }
0x5b: {  	[tilespmem:v0+s13+$0x0 ss:$0x1] =	vst.idx.msk $0xffff, v2  }
0x5c: {  	v2 =	vld [tilespmem:$0x1AB98]  }
0x5d: {  	v3 =	vld [tilespmem:$0x1B818];
	_ =	sdelay $0x3  }
0x5e: {  	v63 =	vld [tilespmem:s7+$0x2498]  }
0x5f: {  	v2 =	vsub.f32 v2, v3;
	_ =	sdelay $0x1  }
0x60: {  	v2 =	vadd.s32 $0x8000, v2  }
0x61: {  	v2 =	vshrl.u32 v2, $0x10  }
0x62: {  	v2 =	vor.u32 v63, v2  }
0x63: {  	s17 =	simm.s32 $0x0;
	s14 =	rddreg [dreg:$0x10];
	[tilespmem:s7+$0x2498] =	vst v2  }
0x64: {  	[tilespmem:s26], [sflag:$0x1] =	stream.linear.gather [hbm4b:s14+s17], $0xC38, $0x38;
	[tilespmem:$0x1D8F0] =	vst v63  }
0x65: {  	s18 =	rddreg [dreg:$0x11]  }
0x66: {  	[tilespmem:s28], [sflag:$0x1] =	stream.linear.gather [hbm4b:s18+s17], $0xC38, $0x38;
	[tilespmem:$0x1D8F0] =	vst v63  }
0x67: {  	_ =	swait.ge [sflag:s29], $0xC38  }
0x68: {  	[sflag:s29] =	ssyncset.done $0x0  }
0x69: {  	[sflag:s29] =	ssyncadd.s32 $0xFFFFF3C8  }
0x6a: {  	_ =	swait.ge [sflag:s29], $0xC38  }
0x6b: {  	[sflag:s29] =	ssyncset.done $0x0  }
0x6c: {  	s13 =	simm.s32 $0x0;
	[sflag:s29] =	ssyncadd.s32 $0xFFFFF3C8  }
0x6d: {  	s14 =	simm.s32 $0x40;
	v2 =	vld [tilespmem:s13+$0x1ABF0]  }
.LBB2_6:
0x6e: {  	p0 =	sne.s32 s14, $0x3080;
	v3 =	vld [tilespmem:s13+$0x19F70];
	_ =	sdelay $0x3  }
.Ltmp4:
0x6f: {  	(pc) =	sbr.rel @p0 .LBB2_6-.Ltmp4, $3  }
0x70: {  	v2 =	vsub.f32 v3, v2;
	_ =	sdelay $0x1  }
0x71: {  	[tilespmem:v1+s13+$0x0 ss:$0x1] =	vst.idx.msk $0xffff, v2;
	s13 =	sshra.s32 s14, $0x2  }
0x72: {  	s14 =	sadd.s32 $0x40, s14;
	v2 =	vld [tilespmem:s13+$0x1ABF0]  }
0x73: {  	v3 =	vld [tilespmem:s13+$0x19F70];
	_ =	sdelay $0x4  }
0x74: {  	v2 =	vsub.f32 v3, v2;
	_ =	sdelay $0x1  }
0x75: {  	[tilespmem:v1+s13+$0x0 ss:$0x1] =	vst.idx.msk $0xffff, v2  }
0x76: {  	v2 =	vld [tilespmem:$0x1AB98]  }
0x77: {  	v3 =	vld [tilespmem:$0x1B818];
	_ =	sdelay $0x4  }
0x78: {  	v2 =	vsub.f32 v2, v3;
	_ =	sdelay $0x1  }
0x79: {  	s18 =	rddreg [dreg:$0x12];
	[tilespmem:s7+$0xE818] =	vst v2  }
0x7a: {  	[spmem:s18] =	stream.linear.scatter [tilespmem:s10], [sflag:$0x6], $0xC38, $0x38;
	[tilespmem:$0x1D8F0] =	vst v63  }
0x7b: {  	_ =	swait.ge [sflag:s30], $0xC38  }
0x7c: {  	[sflag:s30] =	ssyncset.done $0x0  }
0x7d: {  	s14 =	rddreg [dreg:$0x13];
	[sflag:s30] =	ssyncadd.s32 $0xFFFFF3C8  }
0x7e: {  	[spmem:s14] =	stream.linear.scatter [tilespmem:s15], [sflag:$0x6], $0xC38, $0x38;
	[tilespmem:$0x1D8F0] =	vst v63  }
0x7f: {  	_ =	swait.ge [sflag:s30], $0xC38  }
0x80: {  	[sflag:s30] =	ssyncset.done $0x0  }
0x81: {  	[sflag:s30] =	ssyncadd.s32 $0xFFFFF3C8  }
0x82: {  	[bflag:$0x0] =	sbarrier.arrive $0xFFFF  }
0x83: {  	s16 =	rddreg [dreg:$0x9]  }
0x84: {  	[tilespmem:s31], [sflag:$0x6] =	stream.linear.gather [spmem:s16], $0xC380, $0x38;
	[tilespmem:$0x1D8F0] =	vst v63  }
0x85: {  	_ =	swait.ge [sflag:s30], $0xC380  }
0x86: {  	[sflag:s30] =	ssyncset.done $0x0  }
0x87: {  	[sflag:s30] =	ssyncadd.s32 $0xFFFF3C80  }
0x88: {  	s17 =	rddreg [dreg:$0xa]  }
0x89: {  	[tilespmem:s0], [sflag:$0x6] =	stream.linear.gather [spmem:s17], $0xC380, $0x38;
	[tilespmem:$0x1D8F0] =	vst v63  }
0x8a: {  	_ =	swait.ge [sflag:s30], $0xC380  }
0x8b: {  	s13 =	simm.s32 $0x0;
	[sflag:s30] =	ssyncset.done $0x0  }
0x8c: {  	s16 =	simm.s32 $0x1B870;
	s14 =	rddreg [dreg:$0x14];
	[sflag:s30] =	ssyncadd.s32 $0xFFFF3C80  }
0x8d: {  	[tilespmem:s16], [sflag:$0x2] =	stream.linear.gather [hbm4b:s14+s13], $0x7D0, $0x38;
	[tilespmem:$0x1D8F0] =	vst v63  }
0x8e: {  	s18 =	simm.s32 $0x1C870  }
0x8f: {  	[tilespmem:s18], [sflag:$0x4] =	stream.linear.gather [hbm4b:s19+s13], $0x7D0, $0x38;
	[tilespmem:$0x1D8F0] =	vst v63  }
0x90: {  	_ = 	snop  }
0x91: {  	[tilespmem:s5], [sflag:$0x3] =	stream.linear.gather [hbm4b:s20+s13], $0x7D0, $0x38;
	[tilespmem:$0x1D8F0] =	vst v63  }
0x92: {  	_ = 	snop  }
0x93: {  	v2 =	vimm.f32 $0.0e+00;
	[tilespmem:s4], [sflag:$0x5] =	stream.linear.gather [hbm4b:s21+s13], $0x7D0, $0x38;
	[tilespmem:$0x1D8F0] =	vst v63  }
.LBB2_8:
0x94: {  	_ =	swait.ge [sflag:s3], $0x7D0  }
0x95: {  	[sflag:s3] =	ssyncset.done $0x0  }
0x96: {  	[sflag:s3] =	ssyncadd.s32 $0xFFFFF830  }
0x97: {  	_ =	swait.ge [sflag:s8], $0x7D0  }
0x98: {  	[sflag:s8] =	ssyncset.done $0x0  }
0x99: {  	s14 =	simm.s32 $0x0;
	[sflag:s8] =	ssyncadd.s32 $0xFFFFF830  }
0x9a: {  	v3 =	vld [tilespmem:s14+$0x1C8B0]  }
0x9b: {  	v4 =	vld [tilespmem:s14+$0x1B8B0]  }
0x9c: {  	v5 =	vld [tilespmem:s14+$0x1C8A0]  }
0x9d: {  	v6 =	vld [tilespmem:s14+$0x1B8A0]  }
0x9e: {  	v7 =	vld [tilespmem:s14+$0x1C890]  }
0x9f: {  	v8 =	vld [tilespmem:s14+$0x1C880]  }
0xa0: {  	v9 =	vld [tilespmem:s14+$0x1B880]  }
0xa1: {  	v10 =	vld [tilespmem:s14+$0x1B890]  }
0xa2: {  	v12 =	vld [tilespmem:s14+$0x1B870]  }
0xa3: {  	v11 =	vld.idx.msk [tilespmem:v3+s0+$0x0], $0xffff  }
0xa4: {  	v13 =	vld.idx.msk [tilespmem:v4+s0+$0x0], $0xffff  }
0xa5: {  	v4 =	vld.idx.msk [tilespmem:v4+s31+$0x0], $0xffff  }
0xa6: {  	v14 =	vld.idx.msk [tilespmem:v5+s0+$0x0], $0xffff  }
0xa7: {  	v3 =	vld.idx.msk [tilespmem:v3+s31+$0x0], $0xffff  }
0xa8: {  	v5 =	vld.idx.msk [tilespmem:v5+s31+$0x0], $0xffff  }
0xa9: {  	v16 =	vld.idx.msk [tilespmem:v6+s31+$0x0], $0xffff  }
0xaa: {  	v17 =	vld.idx.msk [tilespmem:v7+s31+$0x0], $0xffff  }
0xab: {  	v18 =	vld.idx.msk [tilespmem:v8+s0+$0x0], $0xffff  }
0xac: {  	v19 =	vld.idx.msk [tilespmem:v10+s31+$0x0], $0xffff  }
0xad: {  	v22 =	vld.idx.msk [tilespmem:v9+s31+$0x0], $0xffff  }
0xae: {  	v10 =	vld.idx.msk [tilespmem:v10+s0+$0x0], $0xffff  }
0xaf: {  	v7 =	vld.idx.msk [tilespmem:v7+s0+$0x0], $0xffff  }
0xb0: {  	v9 =	vld.idx.msk [tilespmem:v9+s0+$0x0], $0xffff  }
0xb1: {  	v6 =	vld.idx.msk [tilespmem:v6+s0+$0x0], $0xffff  }
0xb2: {  	v15 =	vld [tilespmem:s14+$0x1C870];
	v20 =	vand.u32 $0xFFFF0000, v4  }
0xb3: {  	v4 =	vshll.u32 v4, $0x10;
	v21 =	vand.u32 $0xFFFF0000, v3;
	v23 =	vand.u32 $0xFFFF0000, v5  }
0xb4: {  	s18 =	simm.s32 $0x50;
	v5 =	vshll.u32 v5, $0x10;
	v11 =	vsub.f32 v11, v13;
	v13 =	vand.u32 $0xFFFF0000, v16  }
0xb5: {  	v24 =	vld [tilespmem:s18+$0x1B8B0];
	v3 =	vshll.u32 v3, $0x10;
	v7 =	vsub.f32 v7, v10;
	v9 =	vsub.f32 v18, v9  }
0xb6: {  	v8 =	vld.idx.msk [tilespmem:v8+s31+$0x0], $0xffff;
	v16 =	vshll.u32 v16, $0x10;
	v6 =	vsub.f32 v14, v6;
	v20 =	vsub.f32 v21, v20  }
0xb7: {  	v26 =	vld [tilespmem:s18+$0x1C890];
	v13 =	vsub.f32 v23, v13;
	v5 =	vsub.f32 v5, v16;
	v16 =	vand.u32 $0xFFFF0000, v17  }
0xb8: {  	v21 =	vld.idx.msk [tilespmem:v12+s0+$0x0], $0xffff;
	v17 =	vshll.u32 v17, $0x10;
	v23 =	vand.u32 $0xFFFF0000, v19;
	v19 =	vshll.u32 v19, $0x10  }
0xb9: {  	v3 =	vsub.f32 v3, v4;
	v12 =	vld.idx.msk [tilespmem:v12+s31+$0x0], $0xffff;
	v17 =	vsub.f32 v17, v19  }
0xba: {  	v11 =	vmul.f32 v11, v11;
	v16 =	vsub.f32 v16, v23;
	v4 =	vmul.f32 v20, v20;
	v20 =	vld.idx.msk [tilespmem:v15+s0+$0x0], $0xffff  }
0xbb: {  	v19 =	vshll.u32 v8, $0x10;
	v3 =	vmul.f32 v3, v3;
	v10 =	vmul.f32 v17, v17;
	v17 =	vld [tilespmem:s18+$0x1C8B0]  }
0xbc: {  	v28 =	vld [tilespmem:s18+$0x1B870];
	v8 =	vand.u32 $0xFFFF0000, v8;
	v23 =	vand.u32 $0xFFFF0000, v22;
	v16 =	vmul.f32 v16, v16  }
0xbd: {  	v18 =	vld [tilespmem:s18+$0x1B880];
	v22 =	vshll.u32 v22, $0x10;
	v7 =	vmul.f32 v7, v7;
	v3 =	vadd.f32 v3, v4  }
0xbe: {  	v9 =	vmul.f32 v9, v9;
	v15 =	vld.idx.msk [tilespmem:v15+s31+$0x0], $0xffff;
	v8 =	vsub.f32 v8, v23;
	v10 =	vadd.f32 v10, v16  }
0xbf: {  	v13 =	vmul.f32 v13, v13;
	v19 =	vsub.f32 v19, v22;
	v16 =	vld [tilespmem:s18+$0x1C8A0];
	v11 =	vadd.f32 v3, v11  }
0xc0: {  	v22 =	vand.u32 $0xFFFF0000, v12;
	v20 =	vsub.f32 v20, v21;
	v21 =	vld [tilespmem:s18+$0x1B8A0];
	v4 =	vadd.f32 v10, v7  }
0xc1: {  	v10 =	vshll.u32 v12, $0x10;
	v7 =	vmul.f32 v8, v8;
	v8 =	vmul.f32 v19, v19;
	v12 =	vld [tilespmem:s18+$0x1C880]  }
0xc2: {  	v5 =	vmul.f32 v5, v5;
	v19 =	vld [tilespmem:s18+$0x1B890];
	v23 =	vmax.f32 v11, $1.000000000e-30;
	v3 =	vmax.f32 v4, $1.000000000e-30  }
0xc3: {  	v7 =	vadd.f32 v8, v7;
	v8 =	vshrl.u32 v3, $0x1;
	v3 =	vmul.f32 $5.000000000e-01, v3;
	v25 =	vld.idx.msk [tilespmem:v17+s0+$0x0], $0xffff  }
0xc4: {  	v27 =	vshrl.u32 v23, $0x1;
	v23 =	vmul.f32 $5.000000000e-01, v23;
	v8 =	vsub.s32 $0x5F3759DF, v8;
	v17 =	vld.idx.msk [tilespmem:v17+s31+$0x0], $0xffff  }
0xc5: {  	v14 =	vsub.s32 $0x5F3759DF, v27;
	v29 =	vmul.f32 v8, v3;
	v3 =	vadd.f32 v7, v9;
	v9 =	vld.idx.msk [tilespmem:v24+s0+$0x0], $0xffff  }
0xc6: {  	v23 =	vmul.f32 v14, v23;
	v7 =	vand.u32 $0xFFFF0000, v15;
	v24 =	vld.idx.msk [tilespmem:v24+s31+$0x0], $0xffff;
	v15 =	vshll.u32 v15, $0x10  }
0xc7: {  	v22 =	vsub.f32 v7, v22;
	v31 =	vld.idx.msk [tilespmem:v16+s31+$0x0], $0xffff;
	v27 =	vmul.f32 v8, v29;
	v29 =	vmax.f32 v3, $1.000000000e-30  }
0xc8: {  	v23 =	vmul.f32 v14, v23;
	v15 =	vsub.f32 v15, v10;
	v30 =	vshrl.u32 v29, $0x1;
	v32 =	vld.idx.msk [tilespmem:v21+s31+$0x0], $0xffff  }
0xc9: {  	v7 =	vmul.f32 v6, v6;
	v27 =	vsub.f32 $1.500000000e+00, v27;
	v6 =	vsub.s32 $0x5F3759DF, v30;
	v30 =	vld [tilespmem:s18+$0x1C870]  }
0xca: {  	v10 =	vadd.f32 v5, v13;
	v33 =	vmul.f32 v15, v15;
	v15 =	vld.idx.msk [tilespmem:v12+s31+$0x0], $0xffff  }
0xcb: {  	v29 =	vmul.f32 $5.000000000e-01, v29;
	v23 =	vsub.f32 $1.500000000e+00, v23;
	v34 =	vld.idx.msk [tilespmem:v19+s31+$0x0], $0xffff;
	v8 =	vmul.f32 v8, v27  }
0xcc: {  	v22 =	vmul.f32 v22, v22;
	v13 =	vand.u32 $0xFFFF0000, v24;
	v9 =	vsub.f32 v25, v9;
	v25 =	vld.idx.msk [tilespmem:v18+s31+$0x0], $0xffff  }
0xcd: {  	v27 =	vld.idx.msk [tilespmem:v16+s0+$0x0], $0xffff;
	v5 =	vmul.f32 v8, v4;
	v4 =	vmul.f32 v14, v23;
	v8 =	vand.u32 $0xFFFF0000, v17  }
0xce: {  	v16 =	vshll.u32 v24, $0x10;
	v24 =	vld.idx.msk [tilespmem:v26+s31+$0x0], $0xffff;
	v8 =	vsub.f32 v8, v13;
	v13 =	vshll.u32 v17, $0x10  }
0xcf: {  	v23 =	vand.u32 $0xFFFF0000, v31;
	v4 =	vmul.f32 v4, v11;
	v11 =	vsub.f32 v13, v16;
	v16 =	vld.idx.msk [tilespmem:v28+s0+$0x0], $0xffff  }
0xd0: {  	v31 =	vshll.u32 v31, $0x10;
	v35 =	vand.u32 $0xFFFF0000, v34;
	v17 =	vand.u32 $0xFFFF0000, v32;
	v28 =	vld.idx.msk [tilespmem:v28+s31+$0x0], $0xffff  }
0xd1: {  	v34 =	vshll.u32 v34, $0x10;
	v14 =	vmul.f32 v8, v8;
	v8 =	vsub.f32 v23, v17;
	v23 =	vld.idx.msk [tilespmem:v30+s0+$0x0], $0xffff  }
0xd2: {  	v13 =	vmul.f32 v9, v9;
	v36 =	vand.u32 $0xFFFF0000, v25;
	v17 =	vshll.u32 v32, $0x10;
	v30 =	vld.idx.msk [tilespmem:v30+s31+$0x0], $0xffff  }
0xd3: {  	v62 =	vand.u32 $0xFFFF0000, v24;
	v24 =	vshll.u32 v24, $0x10;
	v9 =	vsub.f32 v31, v17  }
0xd4: {  	v63 =	vld.idx.msk [tilespmem:v18+s0+$0x0], $0xffff;
	v17 =	vmul.f32 v11, v11;
	v31 =	vshll.u32 v15, $0x10;
	v15 =	vand.u32 $0xFFFF0000, v15  }
0xd5: {  	v21 =	vld.idx.msk [tilespmem:v21+s0+$0x0], $0xffff;
	v11 =	vmul.f32 v8, v8;
	v36 =	vsub.f32 v15, v36;
	v15 =	vsub.f32 v62, v35  }
0xd6: {  	v37 =	vld.idx.msk [tilespmem:v12+s0+$0x0], $0xffff;
	v12 =	vmul.f32 v9, v9;
	v9 =	vand.u32 $0xFFFF0000, v28;
	v8 =	vsub.f32 v23, v16  }
0xd7: {  	v19 =	vld.idx.msk [tilespmem:v19+s0+$0x0], $0xffff;
	v16 =	vmul.f32 v20, v20;
	v20 =	vsub.f32 v24, v34;
	v24 =	vand.u32 $0xFFFF0000, v30  }
0xd8: {  	v25 =	vshll.u32 v25, $0x10;
	v9 =	vsub.f32 v24, v9;
	v24 =	vadd.f32 v33, v22;
	v22 =	vld.idx.msk [tilespmem:v26+s0+$0x0], $0xffff  }
0xd9: {  	v31 =	vsub.f32 v31, v25  }
0xda: {  	v18 =	vmul.f32 v15, v15;
	v15 =	vsub.f32 v27, v21;
	v21 =	vmul.f32 v6, v29  }
0xdb: {  	v27 =	vmul.f32 v36, v36;
	v23 =	vshll.u32 v28, $0x10;
	v25 =	vshll.u32 v30, $0x10  }
0xdc: {  	s14 =	simm.s32 $0x280;
	v15 =	vmul.f32 v15, v15;
	v28 =	vmul.f32 v31, v31;
	v26 =	vsub.f32 v37, v63  }
.LBB2_9:
0xdd: {  	s16 =	sshra.s32 s14, $0x2;
	p0 =	sne.s32 s14, $0x1E00;
	s14 =	sadd.s32 $0x140, s14;
	v23 =	vsub.f32 v25, v23;
	v19 =	vsub.f32 v22, v19;
	v20 =	vmul.f32 v20, v20  }
0xde: {  	v24 =	vadd.f32 v24, v16;
	v22 =	vld [tilespmem:s16+$0x1C8B0];
	v25 =	vadd.f32 v28, v27;
	v26 =	vmul.f32 v26, v26  }
0xdf: {  	v27 =	vld [tilespmem:s16+$0x1B8B0];
	v18 =	vadd.f32 v20, v18;
	v20 =	vmul.f32 v6, v21;
	v21 =	vadd.f32 v10, v7;
	v7 =	vmovc v15  }
0xe0: {  	v10 =	vadd.f32 v17, v14;
	v14 =	vmax.f32 v24, $1.000000000e-30;
	v28 =	vld [tilespmem:s16+$0x1C8A0];
	v25 =	vadd.f32 v25, v26  }
0xe1: {  	v15 =	vmul.f32 v19, v19;
	v19 =	vshrl.u32 v14, $0x1;
	v14 =	vmul.f32 $5.000000000e-01, v14;
	v17 =	vld [tilespmem:s16+$0x1B8A0]  }
0xe2: {  	v13 =	vadd.f32 v10, v13;
	v10 =	vsub.s32 $0x5F3759DF, v19;
	v16 =	vld [tilespmem:s16+$0x1C890];
	v26 =	vmax.f32 v25, $1.000000000e-30  }
0xe3: {  	v18 =	vadd.f32 v18, v15;
	v14 =	vmul.f32 v10, v14;
	v19 =	vld [tilespmem:s16+$0x1C880];
	v29 =	vshrl.u32 v26, $0x1  }
0xe4: {  	v15 =	vmul.f32 $5.000000000e-01, v26;
	v26 =	vmax.f32 v13, $1.000000000e-30;
	v30 =	vld [tilespmem:s16+$0x1B880];
	v29 =	vsub.s32 $0x5F3759DF, v29  }
0xe5: {  	v32 =	vmax.f32 v18, $1.000000000e-30;
	v33 =	vshrl.u32 v26, $0x1;
	v14 =	vmul.f32 v10, v14;
	v31 =	vld [tilespmem:s16+$0x1B890]  }
0xe6: {  	v36 =	vmax.f32 v21, $1.000000000e-30;
	v35 =	vshrl.u32 v32, $0x1;
	v32 =	vmul.f32 $5.000000000e-01, v32;
	v34 =	vld.idx.msk [tilespmem:v22+s0+$0x0], $0xffff  }
0xe7: {  	v38 =	vmul.f32 $5.000000000e-01, v36;
	v26 =	vmul.f32 $5.000000000e-01, v26;
	v35 =	vsub.s32 $0x5F3759DF, v35;
	v37 =	vld [tilespmem:s16+$0x1B870]  }
0xe8: {  	v33 =	vsub.s32 $0x5F3759DF, v33;
	v32 =	vmul.f32 v35, v32;
	v14 =	vsub.f32 $1.500000000e+00, v14;
	v39 =	vld.idx.msk [tilespmem:v27+s0+$0x0], $0xffff  }
0xe9: {  	v20 =	vsub.f32 $1.500000000e+00, v20;
	v36 =	vshrl.u32 v36, $0x1;
	v26 =	vmul.f32 v33, v26;
	v27 =	vld.idx.msk [tilespmem:v27+s31+$0x0], $0xffff  }
0xea: {  	v36 =	vsub.s32 $0x5F3759DF, v36;
	v32 =	vmul.f32 v35, v32;
	v14 =	vmul.f32 v10, v14;
	v40 =	vld.idx.msk [tilespmem:v28+s0+$0x0], $0xffff  }
0xeb: {  	v10 =	vadd.f32 v12, v11;
	v11 =	vmul.f32 v33, v26;
	v12 =	vmul.f32 v36, v38;
	v22 =	vld.idx.msk [tilespmem:v22+s31+$0x0], $0xffff  }
0xec: {  	v20 =	vmul.f32 v6, v20;
	v6 =	vmovc v29;
	v14 =	vmul.f32 v14, v24;
	v26 =	vld.idx.msk [tilespmem:v28+s31+$0x0], $0xffff;
	v28 =	vsub.f32 $1.500000000e+00, v32  }
0xed: {  	v11 =	vsub.f32 $1.500000000e+00, v11;
	v12 =	vmul.f32 v36, v12;
	v24 =	vld [tilespmem:s16+$0x1C870]  }
0xee: {  	v2 =	vadd.f32 v14, v2;
	v14 =	vmul.f32 v20, v3;
	v29 =	vld.idx.msk [tilespmem:v17+s31+$0x0], $0xffff;
	v28 =	vmul.f32 v35, v28  }
0xef: {  	v12 =	vsub.f32 $1.500000000e+00, v12;
	v3 =	vmovc v25;
	v20 =	vshll.u32 v27, $0x10;
	v32 =	vld.idx.msk [tilespmem:v17+s0+$0x0], $0xffff;
	v17 =	vand.u32 $0xFFFF0000, v27  }
0xf0: {  	v11 =	vmul.f32 v33, v11;
	v2 =	vadd.f32 v14, v2;
	v25 =	vld.idx.msk [tilespmem:v16+s31+$0x0], $0xffff;
	v18 =	vmul.f32 v28, v18  }
0xf1: {  	v12 =	vmul.f32 v36, v12;
	v14 =	vand.u32 $0xFFFF0000, v22;
	v28 =	vmul.f32 v23, v23;
	v27 =	vld.idx.msk [tilespmem:v19+s0+$0x0], $0xffff  }
0xf2: {  	v2 =	vadd.f32 v5, v2;
	v23 =	vand.u32 $0xFFFF0000, v26;
	v26 =	vshll.u32 v26, $0x10;
	v19 =	vld.idx.msk [tilespmem:v19+s31+$0x0], $0xffff;
	v5 =	vmovc v18  }
0xf3: {  	v12 =	vmul.f32 v12, v21;
	v14 =	vsub.f32 v14, v17;
	v17 =	vsub.f32 v34, v39;
	v18 =	vld.idx.msk [tilespmem:v31+s31+$0x0], $0xffff  }
0xf4: {  	v11 =	vmul.f32 v11, v13;
	v22 =	vshll.u32 v22, $0x10;
	v33 =	vand.u32 $0xFFFF0000, v29;
	v21 =	vld.idx.msk [tilespmem:v30+s31+$0x0], $0xffff  }
0xf5: {  	v20 =	vsub.f32 v22, v20;
	v2 =	vadd.f32 v12, v2;
	v14 =	vmul.f32 v14, v14;
	v34 =	vld.idx.msk [tilespmem:v37+s0+$0x0], $0xffff  }
0xf6: {  	v22 =	vshll.u32 v29, $0x10;
	v13 =	vmul.f32 v17, v17;
	v12 =	vsub.f32 v23, v33;
	v35 =	vld.idx.msk [tilespmem:v24+s0+$0x0], $0xffff  }
0xf7: {  	v17 =	vmul.f32 v20, v20;
	v22 =	vsub.f32 v26, v22;
	v2 =	vadd.f32 v4, v2;
	v23 =	vld.idx.msk [tilespmem:v37+s31+$0x0], $0xffff  }
0xf8: {  	v4 =	vmovc v11;
	v29 =	vand.u32 $0xFFFF0000, v25;
	v25 =	vshll.u32 v25, $0x10;
	v20 =	vshll.u32 v19, $0x10;
	v26 =	vld.idx.msk [tilespmem:v30+s0+$0x0], $0xffff  }
0xf9: {  	v19 =	vand.u32 $0xFFFF0000, v19;
	v30 =	vand.u32 $0xFFFF0000, v18;
	v18 =	vshll.u32 v18, $0x10;
	v24 =	vld.idx.msk [tilespmem:v24+s31+$0x0], $0xffff  }
0xfa: {  	v11 =	vmul.f32 v12, v12;
	v33 =	vand.u32 $0xFFFF0000, v21;
	v21 =	vshll.u32 v21, $0x10  }
0xfb: {  	v12 =	vmul.f32 v22, v22;
	v29 =	vsub.f32 v29, v30;
	v33 =	vsub.f32 v19, v33;
	v19 =	vld.idx.msk [tilespmem:v31+s0+$0x0], $0xffff  }
0xfc: {  	v30 =	vsub.f32 v20, v21;
	v22 =	vld.idx.msk [tilespmem:v16+s0+$0x0], $0xffff;
	v16 =	vmul.f32 v8, v8;
	v8 =	vsub.f32 v35, v34  }
.Ltmp5:
0xfd: {  	v20 =	vsub.f32 v25, v18;
	v18 =	vmul.f32 v29, v29;
	v29 =	vmul.f32 v9, v9;
	(pc) =	sbr.rel @p0 .LBB2_9-.Ltmp5, $4  }
0xfe: {  	v31 =	vsub.f32 v40, v32;
	v9 =	vand.u32 $0xFFFF0000, v23;
	v23 =	vshll.u32 v23, $0x10  }
0xff: {  	v21 =	vmul.f32 v6, v15;
	v32 =	vand.u32 $0xFFFF0000, v24;
	v25 =	vshll.u32 v24, $0x10  }
0x100: {  	v15 =	vmul.f32 v31, v31;
	v24 =	vadd.f32 v28, v29;
	v9 =	vsub.f32 v32, v9  }
0x101: {  	v26 =	vsub.f32 v27, v26;
	v27 =	vmul.f32 v33, v33;
	v28 =	vmul.f32 v30, v30  }
0x102: {  	v23 =	vsub.f32 v25, v23;
	v16 =	vadd.f32 v24, v16;
	p0 =	seq.s32 s13, $0x18  }
0x103: {  	v20 =	vmul.f32 v20, v20;
	v19 =	vsub.f32 v22, v19;
	v14 =	vadd.f32 v17, v14;
	s14 =	smul.u32 @!p0 $0xFA0, s13  }
0x104: {  	v7 =	vadd.f32 v10, v7;
	v9 =	vmul.f32 v9, v9;
	v8 =	vmul.f32 v8, v8  }
0x105: {  	v25 =	vadd.f32 v28, v27;
	v26 =	vmul.f32 v26, v26;
	v22 =	vmax.f32 v16, $1.000000000e-30;
	s14 =	sadd.s32 @!p0 s14, s23  }
0x106: {  	v18 =	vadd.f32 v20, v18;
	v17 =	vshrl.u32 v22, $0x1;
	v22 =	vmul.f32 $5.000000000e-01, v22;
	s14 =	sshrl.u32 @!p0 s14, $0x3  }
0x107: {  	s17 =	simm.s32 @!p0 $0x0;
	s18 =	simm.s32 @!p0 $0x1B870;
	v20 =	vmul.f32 v6, v21;
	v19 =	vmul.f32 v19, v19;
	v17 =	vsub.s32 $0x5F3759DF, v17;
	s16 =	sadd.s32 @!p0 s1, s14  }
0x108: {  	v23 =	vmul.f32 v23, v23;
	v21 =	vadd.f32 v25, v26;
	v22 =	vmul.f32 v17, v22;
	[tilespmem:s18], [sflag:$0x2] =	stream.linear.gather @!p0 [hbm4b:s16+s17], $0x7D0, $0x38;
	[tilespmem:$0x1D8F0] =	vst v63  }
0x109: {  	v13 =	vadd.f32 v14, v13;
	v27 =	vmax.f32 v7, $1.000000000e-30;
	v10 =	vadd.f32 v18, v19;
	s14 =	sadd.s32 @!p0 s2, s14;
	s16 =	simm.s32 @!p0 $0x1C870  }
0x10a: {  	v9 =	vadd.f32 v23, v9;
	v24 =	vmax.f32 v21, $1.000000000e-30;
	v22 =	vmul.f32 v17, v22;
	[tilespmem:s16], [sflag:$0x4] =	stream.linear.gather @!p0 [hbm4b:s14+s17], $0x7D0, $0x38;
	[tilespmem:$0x1D8F0] =	vst v63  }
0x10b: {  	v23 =	vmul.f32 $5.000000000e-01, v27;
	v20 =	vsub.f32 $1.500000000e+00, v20;
	v14 =	vshrl.u32 v24, $0x1;
	_ =	swait.ge [sflag:s9], $0x7D0  }
0x10c: {  	v18 =	vmul.f32 $5.000000000e-01, v24;
	v24 =	vmax.f32 v10, $1.000000000e-30;
	v22 =	vsub.f32 $1.500000000e+00, v22;
	[sflag:s9] =	ssyncset.done $0x0  }
0x10d: {  	v8 =	vadd.f32 v9, v8;
	v26 =	vshrl.u32 v24, $0x1;
	v9 =	vmul.f32 $5.000000000e-01, v24;
	[sflag:s9] =	ssyncadd.s32 $0xFFFFF830  }
0x10e: {  	v27 =	vshrl.u32 v27, $0x1;
	v24 =	vsub.s32 $0x5F3759DF, v26;
	v17 =	vmul.f32 v17, v22;
	_ =	swait.ge [sflag:s11], $0x7D0  }
0x10f: {  	v6 =	vmul.f32 v6, v20;
	v9 =	vmul.f32 v24, v9;
	v22 =	vsub.s32 $0x5F3759DF, v27;
	[sflag:s11] =	ssyncset.done $0x0  }
0x110: {  	s17 =	simm.s32 $0x0;
	v23 =	vmul.f32 v22, v23;
	v16 =	vmul.f32 v17, v16;
	[sflag:s11] =	ssyncadd.s32 $0xFFFFF830  }
0x111: {  	v3 =	vmul.f32 v6, v3;
	v9 =	vmul.f32 v24, v9;
	v17 =	vmax.f32 v8, $1.000000000e-30;
	v26 =	vld [tilespmem:s17+$0x1D0B0]  }
0x112: {  	v20 =	vmul.f32 v22, v23;
	v23 =	vshrl.u32 v17, $0x1;
	v2 =	vadd.f32 v16, v2;
	v16 =	vld [tilespmem:s17+$0x1C0B0]  }
0x113: {  	v9 =	vsub.f32 $1.500000000e+00, v9;
	v17 =	vmul.f32 $5.000000000e-01, v17;
	v6 =	vsub.s32 $0x5F3759DF, v23;
	v23 =	vld [tilespmem:s17+$0x1C080]  }
0x114: {  	v11 =	vadd.f32 v12, v11;
	v19 =	vmax.f32 v13, $1.000000000e-30;
	s18 =	simm.s32 $0x50;
	v27 =	vld [tilespmem:s17+$0x1C090]  }
0x115: {  	v9 =	vmul.f32 v24, v9;
	v24 =	vld [tilespmem:s18+$0x1C0B0];
	v12 =	vsub.f32 $1.500000000e+00, v20;
	v17 =	vmul.f32 v6, v17  }
0x116: {  	v11 =	vadd.f32 v11, v15;
	v25 =	vshrl.u32 v19, $0x1;
	v28 =	vld [tilespmem:s18+$0x1C070];
	v2 =	vadd.f32 v3, v2  }
0x117: {  	v14 =	vsub.s32 $0x5F3759DF, v14;
	v20 =	vld [tilespmem:s17+$0x1D0A0];
	v12 =	vmul.f32 v22, v12;
	v15 =	vmul.f32 v6, v17  }
0x118: {  	v3 =	vld [tilespmem:s17+$0x1C0A0];
	v22 =	vsub.s32 $0x5F3759DF, v25;
	v2 =	vadd.f32 v5, v2;
	v5 =	vmul.f32 v14, v18  }
0x119: {  	v17 =	vld [tilespmem:s17+$0x1D090];
	v7 =	vmul.f32 v12, v7;
	v12 =	vmax.f32 v11, $1.000000000e-30;
	v15 =	vsub.f32 $1.500000000e+00, v15  }
0x11a: {  	v18 =	vld [tilespmem:s17+$0x1D080];
	v5 =	vmul.f32 v14, v5;
	v25 =	vmul.f32 $5.000000000e-01, v12;
	v12 =	vshrl.u32 v12, $0x1  }
0x11b: {  	v19 =	vmul.f32 $5.000000000e-01, v19;
	v6 =	vmul.f32 v6, v15;
	v12 =	vsub.s32 $0x5F3759DF, v12;
	v15 =	vld.idx.msk [tilespmem:v26+s0+$0x0], $0xffff  }
0x11c: {  	v2 =	vadd.f32 v7, v2;
	v5 =	vsub.f32 $1.500000000e+00, v5;
	v7 =	vmul.f32 v12, v25;
	v25 =	vld [tilespmem:s17+$0x1C070]  }
0x11d: {  	v19 =	vmul.f32 v22, v19;
	v6 =	vmul.f32 v6, v8;
	v8 =	vld.idx.msk [tilespmem:v16+s0+$0x0], $0xffff  }
0x11e: {  	v2 =	vadd.f32 v4, v2;
	v4 =	vmul.f32 v14, v5;
	v5 =	vmul.f32 v12, v7;
	v7 =	vld.idx.msk [tilespmem:v16+s31+$0x0], $0xffff  }
0x11f: {  	v16 =	vld.idx.msk [tilespmem:v20+s0+$0x0], $0xffff  }
0x120: {  	v9 =	vmul.f32 v9, v10;
	v14 =	vmul.f32 v22, v19;
	v19 =	vld.idx.msk [tilespmem:v20+s31+$0x0], $0xffff  }
0x121: {  	v10 =	vld.idx.msk [tilespmem:v3+s31+$0x0], $0xffff;
	v2 =	vadd.f32 v6, v2;
	v4 =	vmul.f32 v4, v21;
	v5 =	vsub.f32 $1.500000000e+00, v5  }
0x122: {  	v3 =	vld.idx.msk [tilespmem:v3+s0+$0x0], $0xffff  }
0x123: {  	v6 =	vld.idx.msk [tilespmem:v26+s31+$0x0], $0xffff;
	v14 =	vsub.f32 $1.500000000e+00, v14;
	v2 =	vadd.f32 v4, v2;
	v4 =	vmul.f32 v12, v5  }
0x124: {  	v21 =	vld.idx.msk [tilespmem:v27+s0+$0x0], $0xffff  }
0x125: {  	v5 =	vld [tilespmem:s17+$0x1D070];
	v12 =	vmul.f32 v22, v14;
	v2 =	vadd.f32 v9, v2;
	v4 =	vmul.f32 v4, v11  }
0x126: {  	v8 =	vsub.f32 v15, v8;
	v9 =	vld.idx.msk [tilespmem:v17+s31+$0x0], $0xffff  }
0x127: {  	v20 =	vand.u32 $0xFFFF0000, v19;
	v11 =	vmul.f32 v12, v13;
	v12 =	vld.idx.msk [tilespmem:v18+s31+$0x0], $0xffff;
	v2 =	vadd.f32 v4, v2  }
0x128: {  	v19 =	vshll.u32 v19, $0x10;
	v13 =	vand.u32 $0xFFFF0000, v7;
	v7 =	vshll.u32 v7, $0x10;
	v4 =	vld.idx.msk [tilespmem:v18+s0+$0x0], $0xffff  }
0x129: {  	v14 =	vand.u32 $0xFFFF0000, v6;
	v6 =	vshll.u32 v6, $0x10;
	v2 =	vadd.f32 v11, v2;
	v11 =	vld.idx.msk [tilespmem:v27+s31+$0x0], $0xffff  }
0x12a: {  	v15 =	vand.u32 $0xFFFF0000, v10;
	v13 =	vsub.f32 v14, v13;
	v6 =	vsub.f32 v6, v7;
	v18 =	vld.idx.msk [tilespmem:v23+s31+$0x0], $0xffff  }
0x12b: {  	v10 =	vshll.u32 v10, $0x10;
	v16 =	vsub.f32 v16, v3;
	v15 =	vsub.f32 v20, v15;
	v23 =	vld.idx.msk [tilespmem:v23+s0+$0x0], $0xffff  }
0x12c: {  	v10 =	vsub.f32 v19, v10;
	v7 =	vmul.f32 v13, v13;
	v13 =	vld.idx.msk [tilespmem:v17+s0+$0x0], $0xffff;
	v6 =	vmul.f32 v6, v6  }
0x12d: {  	v20 =	vld.idx.msk [tilespmem:v25+s31+$0x0], $0xffff;
	v8 =	vmul.f32 v8, v8;
	v19 =	vand.u32 $0xFFFF0000, v9;
	v9 =	vshll.u32 v9, $0x10  }
0x12e: {  	v27 =	vld [tilespmem:s18+$0x1C090];
	v6 =	vadd.f32 v6, v7;
	v22 =	vand.u32 $0xFFFF0000, v11;
	v11 =	vshll.u32 v11, $0x10  }
0x12f: {  	v14 =	vld.idx.msk [tilespmem:v25+s0+$0x0], $0xffff;
	v15 =	vmul.f32 v15, v15;
	v19 =	vsub.f32 v19, v22;
	v9 =	vsub.f32 v9, v11  }
0x130: {  	v10 =	vmul.f32 v10, v10;
	v17 =	vld.idx.msk [tilespmem:v5+s0+$0x0], $0xffff;
	v4 =	vsub.f32 v4, v23;
	v8 =	vadd.f32 v6, v8  }
0x131: {  	v29 =	vld.idx.msk [tilespmem:v24+s0+$0x0], $0xffff;
	v13 =	vsub.f32 v13, v21;
	v19 =	vmul.f32 v19, v19;
	v9 =	vmul.f32 v9, v9  }
0x132: {  	v24 =	vld.idx.msk [tilespmem:v24+s31+$0x0], $0xffff;
	v11 =	vshll.u32 v12, $0x10;
	v12 =	vand.u32 $0xFFFF0000, v12;
	v22 =	vand.u32 $0xFFFF0000, v18  }
0x133: {  	v21 =	vld [tilespmem:s18+$0x1D0B0];
	v18 =	vshll.u32 v18, $0x10;
	v13 =	vmul.f32 v13, v13;
	v9 =	vadd.f32 v9, v19  }
0x134: {  	v4 =	vmul.f32 v4, v4;
	v12 =	vsub.f32 v12, v22;
	v11 =	vsub.f32 v11, v18;
	v19 =	vld [tilespmem:s18+$0x1D0A0]  }
0x135: {  	v5 =	vld.idx.msk [tilespmem:v5+s31+$0x0], $0xffff;
	v22 =	vsub.f32 v17, v14;
	v14 =	vand.u32 $0xFFFF0000, v20;
	v13 =	vadd.f32 v9, v13  }
0x136: {  	v17 =	vmax.f32 v8, $1.000000000e-30;
	v34 =	vld.idx.msk [tilespmem:v27+s31+$0x0], $0xffff;
	v7 =	vmul.f32 v12, v12;
	v11 =	vmul.f32 v11, v11  }
0x137: {  	v18 =	vld [tilespmem:s18+$0x1C0A0];
	v25 =	vshrl.u32 v17, $0x1;
	v17 =	vmul.f32 $5.000000000e-01, v17;
	v6 =	vmax.f32 v13, $1.000000000e-30  }
0x138: {  	v26 =	vld [tilespmem:s18+$0x1D090];
	v7 =	vadd.f32 v11, v7;
	v11 =	vshrl.u32 v6, $0x1;
	v6 =	vmul.f32 $5.000000000e-01, v6  }
0x139: {  	v12 =	vld [tilespmem:s18+$0x1D080];
	v25 =	vsub.s32 $0x5F3759DF, v25;
	v9 =	vshll.u32 v20, $0x10;
	v11 =	vsub.s32 $0x5F3759DF, v11  }
0x13a: {  	v20 =	vld [tilespmem:s18+$0x1C080];
	v3 =	vadd.f32 v7, v4;
	v4 =	vand.u32 $0xFFFF0000, v5;
	v6 =	vmul.f32 v11, v6  }
0x13b: {  	v23 =	vld.idx.msk [tilespmem:v21+s0+$0x0], $0xffff;
	v7 =	vmul.f32 v25, v17;
	v5 =	vshll.u32 v5, $0x10;
	v62 =	vand.u32 $0xFFFF0000, v34  }
0x13c: {  	v34 =	vshll.u32 v34, $0x10;
	v30 =	vsub.f32 v4, v14;
	v31 =	vld.idx.msk [tilespmem:v19+s31+$0x0], $0xffff;
	v6 =	vmul.f32 v11, v6  }
0x13d: {  	v14 =	vld.idx.msk [tilespmem:v21+s31+$0x0], $0xffff;
	v5 =	vsub.f32 v5, v9;
	v4 =	vmax.f32 v3, $1.000000000e-30;
	v21 =	vmul.f32 v25, v7  }
0x13e: {  	v7 =	vmul.f32 v16, v16;
	v16 =	vld [tilespmem:s18+$0x1D070];
	v17 =	vshrl.u32 v4, $0x1;
	v32 =	vsub.f32 $1.500000000e+00, v6  }
0x13f: {  	v9 =	vadd.f32 v10, v15;
	v6 =	vsub.s32 $0x5F3759DF, v17;
	v17 =	vsub.f32 $1.500000000e+00, v21;
	v21 =	vld.idx.msk [tilespmem:v18+s31+$0x0], $0xffff  }
0x140: {  	v35 =	vld.idx.msk [tilespmem:v28+s0+$0x0], $0xffff;
	v10 =	vand.u32 $0xFFFF0000, v24;
	v33 =	vmul.f32 $5.000000000e-01, v4;
	v4 =	vmul.f32 v11, v32  }
0x141: {  	v28 =	vld.idx.msk [tilespmem:v28+s31+$0x0], $0xffff;
	v11 =	vshll.u32 v24, $0x10;
	v24 =	vmul.f32 v5, v5;
	v61 =	vand.u32 $0xFFFF0000, v31  }
0x142: {  	v15 =	vld.idx.msk [tilespmem:v26+s31+$0x0], $0xffff;
	v4 =	vmul.f32 v4, v13;
	v13 =	vmul.f32 v25, v17;
	v17 =	vand.u32 $0xFFFF0000, v14  }
0x143: {  	v31 =	vshll.u32 v31, $0x10;
	v25 =	vld.idx.msk [tilespmem:v12+s31+$0x0], $0xffff;
	v14 =	vshll.u32 v14, $0x10;
	v10 =	vsub.f32 v17, v10  }
0x144: {  	v17 =	vsub.f32 v23, v29;
	v23 =	vld.idx.msk [tilespmem:v20+s31+$0x0], $0xffff;
	v29 =	vand.u32 $0xFFFF0000, v21;
	v5 =	vmul.f32 v13, v8  }
0x145: {  	v19 =	vld.idx.msk [tilespmem:v19+s0+$0x0], $0xffff;
	v8 =	vsub.f32 v14, v11;
	v11 =	vshll.u32 v21, $0x10;
	v14 =	vmul.f32 v10, v10  }
0x146: {  	v10 =	vsub.f32 v61, v29;
	v13 =	vmul.f32 v17, v17;
	v29 =	vsub.f32 v31, v11;
	v31 =	vld.idx.msk [tilespmem:v18+s0+$0x0], $0xffff  }
0x147: {  	v21 =	vld.idx.msk [tilespmem:v16+s0+$0x0], $0xffff;
	v17 =	vmul.f32 v8, v8;
	v8 =	vand.u32 $0xFFFF0000, v15;
	v15 =	vshll.u32 v15, $0x10  }
0x148: {  	v37 =	vld.idx.msk [tilespmem:v12+s0+$0x0], $0xffff;
	v18 =	vshll.u32 v25, $0x10;
	v25 =	vand.u32 $0xFFFF0000, v25;
	v11 =	vmul.f32 v10, v10  }
0x149: {  	v36 =	vld.idx.msk [tilespmem:v16+s31+$0x0], $0xffff;
	v10 =	vsub.f32 v8, v62;
	v12 =	vmul.f32 v29, v29;
	v16 =	vand.u32 $0xFFFF0000, v23  }
0x14a: {  	v29 =	vld.idx.msk [tilespmem:v20+s0+$0x0], $0xffff;
	v38 =	vsub.f32 v25, v16;
	v16 =	vmul.f32 v22, v22;
	v22 =	vmul.f32 v30, v30  }
0x14b: {  	v20 =	vsub.f32 v15, v34;
	v15 =	vsub.f32 v19, v31;
	v19 =	vld.idx.msk [tilespmem:v27+s0+$0x0], $0xffff  }
0x14c: {  	v23 =	vshll.u32 v23, $0x10;
	v8 =	vsub.f32 v21, v35;
	v24 =	vadd.f32 v24, v22;
	v22 =	vld.idx.msk [tilespmem:v26+s0+$0x0], $0xffff  }
0x14d: {  	v63 =	vsub.f32 v18, v23;
	v18 =	vmul.f32 v10, v10;
	v10 =	vand.u32 $0xFFFF0000, v28  }
0x14e: {  	v23 =	vshll.u32 v28, $0x10;
	v28 =	vand.u32 $0xFFFF0000, v36;
	v25 =	vshll.u32 v36, $0x10  }
0x14f: {  	v21 =	vmul.f32 v6, v33;
	v10 =	vsub.f32 v28, v10;
	v27 =	vmul.f32 v38, v38  }
0x150: {  	s14 =	simm.s32 $0x280;
	v28 =	vmul.f32 v63, v63;
	v15 =	vmul.f32 v15, v15;
	v26 =	vsub.f32 v37, v29  }
.LBB2_11:
0x151: {  	s16 =	sshra.s32 s14, $0x2;
	p1 =	sne.s32 s14, $0x1E00;
	s14 =	sadd.s32 $0x140, s14;
	v23 =	vsub.f32 v25, v23;
	v19 =	vsub.f32 v22, v19;
	v20 =	vmul.f32 v20, v20  }
0x152: {  	v24 =	vadd.f32 v24, v16;
	v22 =	vld [tilespmem:s16+$0x1D0B0];
	v25 =	vadd.f32 v28, v27;
	v26 =	vmul.f32 v26, v26  }
0x153: {  	v27 =	vld [tilespmem:s16+$0x1C0B0];
	v18 =	vadd.f32 v20, v18;
	v20 =	vmul.f32 v6, v21;
	v21 =	vadd.f32 v9, v7;
	v7 =	vmovc v15  }
0x154: {  	v9 =	vadd.f32 v17, v14;
	v14 =	vmax.f32 v24, $1.000000000e-30;
	v28 =	vld [tilespmem:s16+$0x1D0A0];
	v25 =	vadd.f32 v25, v26  }
0x155: {  	v15 =	vmul.f32 v19, v19;
	v19 =	vshrl.u32 v14, $0x1;
	v14 =	vmul.f32 $5.000000000e-01, v14;
	v17 =	vld [tilespmem:s16+$0x1C0A0]  }
0x156: {  	v13 =	vadd.f32 v9, v13;
	v9 =	vsub.s32 $0x5F3759DF, v19;
	v16 =	vld [tilespmem:s16+$0x1D090];
	v26 =	vmax.f32 v25, $1.000000000e-30  }
0x157: {  	v18 =	vadd.f32 v18, v15;
	v14 =	vmul.f32 v9, v14;
	v19 =	vld [tilespmem:s16+$0x1D080];
	v29 =	vshrl.u32 v26, $0x1  }
0x158: {  	v15 =	vmul.f32 $5.000000000e-01, v26;
	v26 =	vmax.f32 v13, $1.000000000e-30;
	v30 =	vld [tilespmem:s16+$0x1C080];
	v29 =	vsub.s32 $0x5F3759DF, v29  }
0x159: {  	v32 =	vmax.f32 v18, $1.000000000e-30;
	v33 =	vshrl.u32 v26, $0x1;
	v14 =	vmul.f32 v9, v14;
	v31 =	vld [tilespmem:s16+$0x1C090]  }
0x15a: {  	v36 =	vmax.f32 v21, $1.000000000e-30;
	v35 =	vshrl.u32 v32, $0x1;
	v32 =	vmul.f32 $5.000000000e-01, v32;
	v34 =	vld.idx.msk [tilespmem:v22+s0+$0x0], $0xffff  }
0x15b: {  	v38 =	vmul.f32 $5.000000000e-01, v36;
	v26 =	vmul.f32 $5.000000000e-01, v26;
	v35 =	vsub.s32 $0x5F3759DF, v35;
	v37 =	vld [tilespmem:s16+$0x1C070]  }
0x15c: {  	v33 =	vsub.s32 $0x5F3759DF, v33;
	v32 =	vmul.f32 v35, v32;
	v14 =	vsub.f32 $1.500000000e+00, v14;
	v39 =	vld.idx.msk [tilespmem:v27+s0+$0x0], $0xffff  }
0x15d: {  	v20 =	vsub.f32 $1.500000000e+00, v20;
	v36 =	vshrl.u32 v36, $0x1;
	v26 =	vmul.f32 v33, v26;
	v27 =	vld.idx.msk [tilespmem:v27+s31+$0x0], $0xffff  }
0x15e: {  	v36 =	vsub.s32 $0x5F3759DF, v36;
	v32 =	vmul.f32 v35, v32;
	v14 =	vmul.f32 v9, v14;
	v40 =	vld.idx.msk [tilespmem:v28+s0+$0x0], $0xffff  }
0x15f: {  	v9 =	vadd.f32 v12, v11;
	v11 =	vmul.f32 v33, v26;
	v12 =	vmul.f32 v36, v38;
	v22 =	vld.idx.msk [tilespmem:v22+s31+$0x0], $0xffff  }
0x160: {  	v20 =	vmul.f32 v6, v20;
	v6 =	vmovc v29;
	v14 =	vmul.f32 v14, v24;
	v26 =	vld.idx.msk [tilespmem:v28+s31+$0x0], $0xffff;
	v28 =	vsub.f32 $1.500000000e+00, v32  }
0x161: {  	v11 =	vsub.f32 $1.500000000e+00, v11;
	v12 =	vmul.f32 v36, v12;
	v24 =	vld [tilespmem:s16+$0x1D070]  }
0x162: {  	v2 =	vadd.f32 v14, v2;
	v14 =	vmul.f32 v20, v3;
	v29 =	vld.idx.msk [tilespmem:v17+s31+$0x0], $0xffff;
	v28 =	vmul.f32 v35, v28  }
0x163: {  	v12 =	vsub.f32 $1.500000000e+00, v12;
	v3 =	vmovc v25;
	v20 =	vshll.u32 v27, $0x10;
	v32 =	vld.idx.msk [tilespmem:v17+s0+$0x0], $0xffff;
	v17 =	vand.u32 $0xFFFF0000, v27  }
0x164: {  	v11 =	vmul.f32 v33, v11;
	v2 =	vadd.f32 v14, v2;
	v25 =	vld.idx.msk [tilespmem:v16+s31+$0x0], $0xffff;
	v18 =	vmul.f32 v28, v18  }
0x165: {  	v12 =	vmul.f32 v36, v12;
	v14 =	vand.u32 $0xFFFF0000, v22;
	v28 =	vmul.f32 v23, v23;
	v27 =	vld.idx.msk [tilespmem:v19+s0+$0x0], $0xffff  }
0x166: {  	v2 =	vadd.f32 v4, v2;
	v23 =	vand.u32 $0xFFFF0000, v26;
	v26 =	vshll.u32 v26, $0x10;
	v19 =	vld.idx.msk [tilespmem:v19+s31+$0x0], $0xffff;
	v4 =	vmovc v18  }
0x167: {  	v12 =	vmul.f32 v12, v21;
	v14 =	vsub.f32 v14, v17;
	v17 =	vsub.f32 v34, v39;
	v18 =	vld.idx.msk [tilespmem:v31+s31+$0x0], $0xffff  }
0x168: {  	v11 =	vmul.f32 v11, v13;
	v22 =	vshll.u32 v22, $0x10;
	v33 =	vand.u32 $0xFFFF0000, v29;
	v21 =	vld.idx.msk [tilespmem:v30+s31+$0x0], $0xffff  }
0x169: {  	v20 =	vsub.f32 v22, v20;
	v2 =	vadd.f32 v12, v2;
	v14 =	vmul.f32 v14, v14;
	v34 =	vld.idx.msk [tilespmem:v37+s0+$0x0], $0xffff  }
0x16a: {  	v22 =	vshll.u32 v29, $0x10;
	v13 =	vmul.f32 v17, v17;
	v12 =	vsub.f32 v23, v33;
	v35 =	vld.idx.msk [tilespmem:v24+s0+$0x0], $0xffff  }
0x16b: {  	v17 =	vmul.f32 v20, v20;
	v22 =	vsub.f32 v26, v22;
	v2 =	vadd.f32 v5, v2;
	v23 =	vld.idx.msk [tilespmem:v37+s31+$0x0], $0xffff  }
0x16c: {  	v5 =	vmovc v11;
	v29 =	vand.u32 $0xFFFF0000, v25;
	v25 =	vshll.u32 v25, $0x10;
	v20 =	vshll.u32 v19, $0x10;
	v26 =	vld.idx.msk [tilespmem:v30+s0+$0x0], $0xffff  }
0x16d: {  	v19 =	vand.u32 $0xFFFF0000, v19;
	v30 =	vand.u32 $0xFFFF0000, v18;
	v18 =	vshll.u32 v18, $0x10;
	v24 =	vld.idx.msk [tilespmem:v24+s31+$0x0], $0xffff  }
0x16e: {  	v11 =	vmul.f32 v12, v12;
	v33 =	vand.u32 $0xFFFF0000, v21;
	v21 =	vshll.u32 v21, $0x10  }
0x16f: {  	v12 =	vmul.f32 v22, v22;
	v29 =	vsub.f32 v29, v30;
	v33 =	vsub.f32 v19, v33;
	v19 =	vld.idx.msk [tilespmem:v31+s0+$0x0], $0xffff  }
0x170: {  	v30 =	vsub.f32 v20, v21;
	v22 =	vld.idx.msk [tilespmem:v16+s0+$0x0], $0xffff;
	v16 =	vmul.f32 v8, v8;
	v8 =	vsub.f32 v35, v34  }
.Ltmp6:
0x171: {  	v20 =	vsub.f32 v25, v18;
	v18 =	vmul.f32 v29, v29;
	v29 =	vmul.f32 v10, v10;
	(pc) =	sbr.rel @p1 .LBB2_11-.Ltmp6, $4  }
0x172: {  	v31 =	vsub.f32 v40, v32;
	v10 =	vand.u32 $0xFFFF0000, v23;
	v23 =	vshll.u32 v23, $0x10  }
0x173: {  	v21 =	vmul.f32 v6, v15;
	v32 =	vand.u32 $0xFFFF0000, v24;
	v25 =	vshll.u32 v24, $0x10  }
0x174: {  	v15 =	vmul.f32 v31, v31;
	v24 =	vadd.f32 v28, v29;
	v10 =	vsub.f32 v32, v10  }
0x175: {  	v26 =	vsub.f32 v27, v26;
	v27 =	vmul.f32 v33, v33;
	v28 =	vmul.f32 v30, v30  }
0x176: {  	v23 =	vsub.f32 v25, v23  }
0x177: {  	v20 =	vmul.f32 v20, v20;
	v16 =	vadd.f32 v24, v16;
	v19 =	vsub.f32 v22, v19  }
0x178: {  	v62 =	vmul.f32 v6, v21;
	v14 =	vadd.f32 v17, v14;
	v7 =	vadd.f32 v9, v7  }
0x179: {  	v10 =	vmul.f32 v10, v10;
	v8 =	vmul.f32 v8, v8;
	v11 =	vadd.f32 v12, v11  }
0x17a: {  	v61 =	vadd.f32 v28, v27;
	v26 =	vmul.f32 v26, v26;
	v18 =	vadd.f32 v20, v18  }
0x17b: {  	v30 =	vmax.f32 v16, $1.000000000e-30;
	v19 =	vmul.f32 v19, v19;
	v13 =	vadd.f32 v14, v13  }
0x17c: {  	v23 =	vmul.f32 v23, v23;
	v31 =	vshrl.u32 v30, $0x1;
	v22 =	vmul.f32 $5.000000000e-01, v30  }
0x17d: {  	v40 =	vmax.f32 v7, $1.000000000e-30;
	v20 =	vsub.f32 $1.500000000e+00, v62;
	v17 =	vsub.s32 $0x5F3759DF, v31  }
0x17e: {  	v11 =	vadd.f32 v11, v15;
	v63 =	vadd.f32 v61, v26;
	v22 =	vmul.f32 v17, v22  }
0x17f: {  	v41 =	vmul.f32 $5.000000000e-01, v40;
	v27 =	vshrl.u32 v40, $0x1;
	v34 =	vadd.f32 v18, v19  }
0x180: {  	v36 =	vmax.f32 v13, $1.000000000e-30;
	v10 =	vadd.f32 v23, v10;
	v22 =	vmul.f32 v17, v22  }
0x181: {  	v42 =	vsub.s32 $0x5F3759DF, v27;
	v45 =	vmul.f32 v6, v20;
	v56 =	vmax.f32 v11, $1.000000000e-30  }
0x182: {  	v32 =	vmax.f32 v63, $1.000000000e-30;
	v38 =	vshrl.u32 v36, $0x1;
	v22 =	vsub.f32 $1.500000000e+00, v22  }
0x183: {  	v23 =	vmul.f32 v42, v41;
	v52 =	vmul.f32 $5.000000000e-01, v36;
	v8 =	vadd.f32 v10, v8  }
0x184: {  	v57 =	vmul.f32 $5.000000000e-01, v56;
	v33 =	vshrl.u32 v32, $0x1;
	v17 =	vmul.f32 v17, v22  }
0x185: {  	v35 =	vmul.f32 $5.000000000e-01, v32;
	v37 =	vmax.f32 v34, $1.000000000e-30;
	v46 =	vmax.f32 v8, $1.000000000e-30  }
0x186: {  	v48 =	vshrl.u32 v46, $0x1;
	v16 =	vmul.f32 v17, v16;
	v17 =	vmul.f32 $5.000000000e-01, v46  }
0x187: {  	v3 =	vmul.f32 v45, v3;
	v47 =	vmul.f32 v42, v23;
	v49 =	vsub.s32 $0x5F3759DF, v48  }
0x188: {  	v54 =	vsub.s32 $0x5F3759DF, v38;
	v2 =	vadd.f32 v16, v2;
	v51 =	vmul.f32 v49, v17  }
0x189: {  	v14 =	vsub.s32 $0x5F3759DF, v33;
	v39 =	vshrl.u32 v37, $0x1;
	v50 =	vsub.f32 $1.500000000e+00, v47  }
0x18a: {  	v43 =	vmul.f32 $5.000000000e-01, v37;
	v2 =	vadd.f32 v3, v2;
	v53 =	vmul.f32 v49, v51  }
0x18b: {  	v44 =	vsub.s32 $0x5F3759DF, v39;
	v55 =	vmul.f32 v14, v35;
	v3 =	vmul.f32 v42, v50  }
0x18c: {  	v10 =	vmul.f32 v44, v43;
	v2 =	vadd.f32 v4, v2;
	v12 =	vsub.f32 $1.500000000e+00, v53  }
0x18d: {  	v3 =	vmul.f32 v3, v7;
	v4 =	vmul.f32 v14, v55;
	v7 =	vshrl.u32 v56, $0x1  }
0x18e: {  	v10 =	vmul.f32 v44, v10;
	v7 =	vsub.s32 $0x5F3759DF, v7;
	v6 =	vmul.f32 v49, v12  }
0x18f: {  	v2 =	vadd.f32 v3, v2;
	v3 =	vsub.f32 $1.500000000e+00, v4;
	v58 =	vmul.f32 v7, v57  }
0x190: {  	v59 =	vmul.f32 v54, v52;
	v10 =	vsub.f32 $1.500000000e+00, v10;
	v6 =	vmul.f32 v6, v8  }
0x191: {  	v2 =	vadd.f32 v5, v2;
	v3 =	vmul.f32 v14, v3;
	v4 =	vmul.f32 v7, v58  }
0x192: {  	v60 =	vmul.f32 v54, v59;
	v61 =	vmul.f32 v44, v10  }
0x193: {  	v2 =	vadd.f32 v6, v2;
	v3 =	vmul.f32 v3, v63;
	v4 =	vsub.f32 $1.500000000e+00, v4  }
0x194: {  	v62 =	vmul.f32 v61, v34  }
0x195: {  	v5 =	vsub.f32 $1.500000000e+00, v60;
	v2 =	vadd.f32 v3, v2;
	v3 =	vmul.f32 v7, v4;
	_ =	sdelay $0x1  }
.Ltmp7:
0x196: {  	v63 =	vmul.f32 v54, v5;
	v2 =	vadd.f32 v62, v2;
	v3 =	vmul.f32 v3, v11;
	(pc) =	sbr.rel @p0 .LBB2_14-.Ltmp7, $3  }
0x197: {  	_ = 	snop  }
0x198: {  	v4 =	vmul.f32 v63, v13;
	v2 =	vadd.f32 v3, v2;
	_ =	sdelay $0x1  }
0x199: {  	v2 =	vadd.f32 v4, v2  }
0x19a: {  	s14 =	smul.u32 $0xFA0, s13;
	_ =	sdelay $0x1  }
0x19b: {  	s14 =	sadd.s32 s14, s24  }
.Ltmp8:
0x19c: {  	s14 =	sshrl.u32 s14, $0x3;
	(pc) =	sbr.rel .LBB2_8-.Ltmp8, $4  }
0x19d: {  	s16 =	sadd.s32 s1, s14  }
0x19e: {  	[tilespmem:s5], [sflag:$0x3] =	stream.linear.gather [hbm4b:s16+s6], $0x7D0, $0x38;
	[tilespmem:$0x1D8F0] =	vst v63  }
0x19f: {  	s13 =	sadd.s32 $0x1, s13;
	s14 =	sadd.s32 s2, s14  }
0x1a0: {  	[tilespmem:s4], [sflag:$0x5] =	stream.linear.gather [hbm4b:s14+s6], $0x7D0, $0x38;
	[tilespmem:$0x1D8F0] =	vst v63  }
.LBB2_15:
0x1a1: {  	_ =	sfence.sel $0x180000  }
0x1a2: {  	[bflag:$0x0] =	sbarrier.arrive $0xFFFF  }
0x1a3: {  	_ =	strace $0x90000047  }
0x1a4: {  	s0 =	stileid.u32;
	[bflag:$0x2] =	sbarrier.arrive $0xFFFF  }
0x1a5: {  	p0 =	sne.s32 s0, $0x0;
	s0 =	rddreg [dreg:$0xb]  }
0x1a6: {  	s0 =	sadd.s32 @!p0 $0x100000, s0  }
0x1a7: {  	[sflag:s0] =	ssyncadd.tile.s32 @!p0 $0x1;
	_ =	shalt  }
.Lfunc_end2:
_tile_overlayer_lowered:
.L_overlay_start_2:
0x1a8: {  	(tag) =	ssettag $0x2  }
0x1a9: {  	s0 =	rddreg [dreg:$0x0];
	s2 =	stileid.u32  }
0x1aa: {  	s1 =	rddreg [dreg:$0x1];
	p0 =	sne.s32 s2, $0x0  }
0x1ab: {  	s3 =	rddreg [dreg:$0x2];
	[bflag:$0x3] =	sbarrier.arrive $0xFFFF;
	s2 =	simm.s32 @!p0 $0x1C06  }
0x1ac: {  	[timem:s3], [sflag:s2] =	dma.local @!p0 [hbm:s0], s1  }
0x1ad: {  	s0 =	simm.s32 @!p0 $0x6  }
0x1ae: {  	_ =	swait.ge @!p0 [sflag:s0], s1  }
0x1af: {  	s1 =	ssub.s32 @!p0 $0x0, s1;
	[sflag:s0] =	ssyncset.done @!p0 $0x0  }
0x1b0: {  	[sflag:s0] =	ssyncadd.s32 @!p0 s1  }
0x1b1: {  	[bflag:$0x3] =	sbarrier.arrive $0xFFFF  }
0x1b2: {  	_ =	shalt  }

</sc_bundles>
